<compile_context>
chip_gen: v7x
topology: tpu7x:2x2x1
jax: 0.10.2.dev20260603
libtpu: 0.0.44.dev20260713+nightly
codegen_flags: <defaults>
</compile_context>

<pallas_src>
import functools

import jax
import jax.numpy as jnp
from jax import lax
from jax.experimental import pallas as pl
from jax.experimental.pallas import tpu as pltpu
from jax.experimental.pallas import tpu_sc as plsc

_D = 96
_DP = 128
_NC = 2
_NS = 16
_NW = _NC * _NS


def _sc_gather2(table, idx_a, idx_b, chunk):
    e = idx_a.shape[0]
    d = table.shape[1]
    bpw = e // _NW
    n_iter = bpw // chunk
    mesh = plsc.VectorSubcoreMesh(core_axis_name="c", subcore_axis_name="s")

    @functools.partial(
        pl.kernel,
        mesh=mesh,
        out_type=[
            jax.ShapeDtypeStruct((e, d), jnp.float32),
            jax.ShapeDtypeStruct((e, d), jnp.float32),
        ],
        scratch_types=[
            pltpu.VMEM((chunk,), jnp.int32),
            pltpu.VMEM((chunk,), jnp.int32),
            pltpu.VMEM((chunk, d), jnp.float32),
            pltpu.VMEM((chunk, d), jnp.float32),
            pltpu.SemaphoreType.DMA,
            pltpu.SemaphoreType.DMA,
        ],
    )
    def k(table_hbm, ia_hbm, ib_hbm, oa_hbm, ob_hbm,
          ia_v, ib_v, ra_v, rb_v, sem_a, sem_b):
        wid = lax.axis_index("s") * _NC + lax.axis_index("c")
        base = wid * bpw

        def body(i, _):
            off = base + i * chunk
            pltpu.sync_copy(ia_hbm.at[pl.ds(off, chunk)], ia_v)
            pltpu.sync_copy(ib_hbm.at[pl.ds(off, chunk)], ib_v)
            ca = pltpu.async_copy(table_hbm.at[ia_v], ra_v, sem_a)
            cb = pltpu.async_copy(table_hbm.at[ib_v], rb_v, sem_b)
            ca.wait()
            pltpu.sync_copy(ra_v, oa_hbm.at[pl.ds(off, chunk)])
            cb.wait()
            pltpu.sync_copy(rb_v, ob_hbm.at[pl.ds(off, chunk)])
            return 0

        lax.fori_loop(0, n_iter, body, 0)

    return k(table, idx_a, idx_b)


def _sc_gather1(table, idx, chunk):
    e = idx.shape[0]
    d = table.shape[1]
    bpw = e // _NW
    n_iter = bpw // chunk
    mesh = plsc.VectorSubcoreMesh(core_axis_name="c", subcore_axis_name="s")

    @functools.partial(
        pl.kernel,
        mesh=mesh,
        out_type=jax.ShapeDtypeStruct((e, d), jnp.float32),
        scratch_types=[
            pltpu.VMEM((chunk,), jnp.int32),
            pltpu.VMEM((chunk, d), jnp.float32),
            pltpu.SemaphoreType.DMA,
        ],
    )
    def k(table_hbm, i_hbm, o_hbm, i_v, r_v, sem):
        wid = lax.axis_index("s") * _NC + lax.axis_index("c")
        base = wid * bpw

        def body(i, _):
            off = base + i * chunk
            pltpu.sync_copy(i_hbm.at[pl.ds(off, chunk)], i_v)
            pltpu.async_copy(table_hbm.at[i_v], r_v, sem).wait()
            pltpu.sync_copy(r_v, o_hbm.at[pl.ds(off, chunk)])
            return 0

        lax.fori_loop(0, n_iter, body, 0)

    return k(table, idx)


def _ab_body(x_ref, wa_ref, ba_ref, wb_ref, bb_ref, ah_ref, bh_ref):
    x = x_ref[...]
    ah_ref[...] = jnp.dot(x, wa_ref[...], preferred_element_type=jnp.float32) + ba_ref[...]
    bh_ref[...] = jnp.dot(x, wb_ref[...], preferred_element_type=jnp.float32) + bb_ref[...]


def _node_body(nf_ref, ah_ref, num_ref, den_ref, h_ref, stats_ref):
    i = pl.program_id(0)
    den = den_ref[...]
    pad = jnp.zeros((nf_ref.shape[0], _DP - _D), jnp.float32)
    h_agg = ah_ref[...] + jnp.concatenate(
        [num_ref[...] / (den + 1e-6), pad], axis=1)
    mask = den[:, 0:1] > 0.0
    h = jnp.where(mask, h_agg, jnp.concatenate([nf_ref[...], pad], axis=1))
    h_ref[...] = h

    @pl.when(i == 0)
    def _():
        stats_ref[...] = jnp.zeros_like(stats_ref)

    stats_ref[0:1, :] += jnp.sum(h, axis=0, keepdims=True)
    stats_ref[1:2, :] += jnp.sum(h * h, axis=0, keepdims=True)


def _gru_body(e_ref, sh_ref, dh_ref, w_ref, b_ref, e2_ref, stats_ref):
    i = pl.program_id(0)
    e = e_ref[...]
    sh = sh_ref[:, :_D]
    dh = dh_ref[:, :_D]

    def mm(x, k):
        return jnp.dot(x.astype(jnp.bfloat16), w_ref[k],
                       preferred_element_type=jnp.float32)

    def bias(k):
        return b_ref[k : k + 1, :]

    r1 = jax.nn.sigmoid(mm(sh, 0) + bias(0) + mm(e, 3) + bias(3))
    z1 = jax.nn.sigmoid(mm(sh, 1) + bias(1) + mm(e, 4) + bias(4))
    n1 = jnp.tanh(mm(sh, 2) + bias(2) + r1 * (mm(e, 5) + bias(5)))
    e1 = (1.0 - z1) * n1 + z1 * e

    r2 = jax.nn.sigmoid(mm(dh, 6) + bias(6) + mm(e1, 9) + bias(9))
    z2 = jax.nn.sigmoid(mm(dh, 7) + bias(7) + mm(e1, 10) + bias(10))
    n2 = jnp.tanh(mm(dh, 8) + bias(8) + r2 * (mm(e1, 11) + bias(11)))
    e2 = (1.0 - z2) * n2 + z2 * e1

    e2_ref[...] = e2

    @pl.when(i == 0)
    def _():
        stats_ref[...] = jnp.zeros_like(stats_ref)

    stats_ref[0:1, :] += jnp.sum(e2, axis=0, keepdims=True)
    stats_ref[1:2, :] += jnp.sum(e2 * e2, axis=0, keepdims=True)


def _apply_body(x_ref, res_ref, scale_ref, shift_ref, o_ref):
    x = x_ref[:, :_D]
    o_ref[...] = res_ref[...] + jnp.maximum(
        x * scale_ref[...] + shift_ref[...], 0.0
    )


def _full_spec():
    return pl.BlockSpec(lambda i: (0, 0))


def _row_spec(blk):
    return pl.BlockSpec((blk, _D), lambda i: (i, 0))


def _compute_ab(node_feat, W_A, b_A, W_B, b_B, blk):
    n = node_feat.shape[0]
    grid = n // blk
    padw = jnp.zeros((_D, _DP - _D), jnp.float32)
    padb = jnp.zeros((1, _DP - _D), jnp.float32)
    wa = jnp.concatenate([W_A.T, padw], axis=1)
    wb = jnp.concatenate([W_B.T, padw], axis=1)
    ba = jnp.concatenate([b_A.reshape(1, _D), padb], axis=1)
    bb = jnp.concatenate([b_B.reshape(1, _D), padb], axis=1)
    return pl.pallas_call(
        _ab_body,
        grid=(grid,),
        in_specs=[
            _row_spec(blk),
            pl.BlockSpec((_D, _DP), lambda i: (0, 0)),
            pl.BlockSpec((1, _DP), lambda i: (0, 0)),
            pl.BlockSpec((_D, _DP), lambda i: (0, 0)),
            pl.BlockSpec((1, _DP), lambda i: (0, 0)),
        ],
        out_specs=[
            pl.BlockSpec((blk, _DP), lambda i: (i, 0)),
            pl.BlockSpec((blk, _DP), lambda i: (i, 0)),
        ],
        out_shape=[
            jax.ShapeDtypeStruct((n, _DP), jnp.float32),
            jax.ShapeDtypeStruct((n, _DP), jnp.float32),
        ],
    )(node_feat, wa, ba, wb, bb)


def _node_update(node_feat, ah, num, den, blk):
    n = node_feat.shape[0]
    grid = n // blk
    return pl.pallas_call(
        _node_body,
        grid=(grid,),
        in_specs=[
            _row_spec(blk),
            pl.BlockSpec((blk, _DP), lambda i: (i, 0)),
            _row_spec(blk),
            _row_spec(blk),
        ],
        out_specs=[
            pl.BlockSpec((blk, _DP), lambda i: (i, 0)),
            pl.BlockSpec((8, _DP), lambda i: (0, 0)),
        ],
        out_shape=[
            jax.ShapeDtypeStruct((n, _DP), jnp.float32),
            jax.ShapeDtypeStruct((8, _DP), jnp.float32),
        ],
    )(node_feat, ah, num, den)


def _gru_chain(e, sh, dh, ws, bs, blk):
    m = e.shape[0]
    grid = m // blk
    return pl.pallas_call(
        _gru_body,
        grid=(grid,),
        in_specs=[
            _row_spec(blk),
            pl.BlockSpec((blk, _DP), lambda i: (i, 0)),
            pl.BlockSpec((blk, _DP), lambda i: (i, 0)),
            pl.BlockSpec((12, _D, _D), lambda i: (0, 0, 0)),
            pl.BlockSpec((16, _D), lambda i: (0, 0)),
        ],
        out_specs=[_row_spec(blk), pl.BlockSpec((8, _D), lambda i: (0, 0))],
        out_shape=[
            jax.ShapeDtypeStruct((m, _D), jnp.float32),
            jax.ShapeDtypeStruct((8, _D), jnp.float32),
        ],
    )(e, sh, dh, ws, bs)


def _bn_apply(x, res, scale, shift, blk):
    m, xw = x.shape
    grid = m // blk
    return pl.pallas_call(
        _apply_body,
        grid=(grid,),
        in_specs=[
            pl.BlockSpec((blk, xw), lambda i: (i, 0)),
            _row_spec(blk),
            pl.BlockSpec((1, _D), lambda i: (0, 0)),
            pl.BlockSpec((1, _D), lambda i: (0, 0)),
        ],
        out_specs=_row_spec(blk),
        out_shape=jax.ShapeDtypeStruct((m, _D), jnp.float32),
    )(x, res, scale, shift)


def _bn_coeffs(stats, count, gamma, beta):
    mean = stats[0, :] / count
    var = stats[1, :] / count - mean * mean
    inv = jax.lax.rsqrt(var + 1e-5)
    scale = gamma * inv
    shift = beta - mean * scale
    return scale.reshape(1, _D), shift.reshape(1, _D)


def kernel(node_feat, edge_index, edge_feat, W_A, b_A, W_B, b_B,
           W_ih1, W_hh1, b_ih1, b_hh1, W_ih2, W_hh2, b_ih2, b_hh2,
           gamma_h, beta_h, gamma_e, beta_e):
    n = node_feat.shape[0]
    m = edge_feat.shape[0]
    nblk = 5000 if n % 5000 == 0 else 8
    eblk = 4000 if m % 4000 == 0 else 8

    src = edge_index[0]
    dst = edge_index[1]

    ah, bh = _compute_ab(node_feat, W_A, b_A, W_B, b_B, nblk)

    sigma = jax.nn.sigmoid(edge_feat)
    bh_j = _sc_gather1(bh, src, 200)
    payload = jnp.concatenate([sigma * bh_j[:, :_D], sigma], axis=1)
    num_den = jax.ops.segment_sum(payload, dst, num_segments=n)
    num = num_den[:, :_D]
    den = num_den[:, _D:]

    h_pre, h_stats = _node_update(node_feat, ah, num, den, nblk)

    sh, dh = _sc_gather2(h_pre, src, dst, 200)

    def split3(w):
        return [w[0:_D].T, w[_D:2 * _D].T, w[2 * _D:3 * _D].T]

    ws = jnp.stack(
        split3(W_ih1) + split3(W_hh1) + split3(W_ih2) + split3(W_hh2)
    ).astype(jnp.bfloat16)
    bs = jnp.concatenate([
        b_ih1.reshape(3, _D), b_hh1.reshape(3, _D),
        b_ih2.reshape(3, _D), b_hh2.reshape(3, _D),
        jnp.zeros((4, _D), jnp.float32),
    ])

    e2, e_stats = _gru_chain(edge_feat, sh, dh, ws, bs, eblk)

    h_scale, h_shift = _bn_coeffs(h_stats[:, :_D], jnp.float32(n), gamma_h, beta_h)
    e_scale, e_shift = _bn_coeffs(e_stats, jnp.float32(m), gamma_e, beta_e)

    h_out = _bn_apply(h_pre, node_feat, h_scale, h_shift, nblk)
    e_out = _bn_apply(e2, edge_feat, e_scale, e_shift, eblk)
    return (h_out, e_out)

# --- scband reference (transcript-rebuilt; emitter-appended) ---
"""Pipeline reference for scband-node-update-network-61229053772127 (READ-ONLY COPY).

The authoritative reference and input builder live on the scoring server;
editing this copy changes nothing except your own understanding.
"""

import jax, jax.numpy as jnp
import numpy as np

N = 50000
E = 800000
D = 96


def _gru_cell(x, h, W_ih, W_hh, b_ih, b_hh):
    # PyTorch nn.GRUCell semantics: gates stacked [r, z, n]
    gi = x @ W_ih.T + b_ih
    gh = h @ W_hh.T + b_hh
    i_r, i_z, i_n = jnp.split(gi, 3, axis=1)
    h_r, h_z, h_n = jnp.split(gh, 3, axis=1)
    r = jax.nn.sigmoid(i_r + h_r)
    z = jax.nn.sigmoid(i_z + h_z)
    n = jnp.tanh(i_n + r * h_n)
    return (1.0 - z) * n + z * h


def _bn(x, gamma, beta):
    # BatchNorm1d in training mode: batch statistics, biased variance, eps=1e-5
    mean = jnp.mean(x, axis=0, keepdims=True)
    var = jnp.var(x, axis=0, keepdims=True)
    return (x - mean) / jnp.sqrt(var + 1e-5) * gamma + beta


def setup_inputs(seed: int = 0) -> dict:
    key = jax.random.key(seed)
    ks = jax.random.split(key, 12)
    s = 0.05
    inp = {}
    inp["node_feat"] = jax.random.normal(ks[0], (N, D), jnp.float32)
    # int32 used so the module runs without jax x64; values are in [0, N)
    inp["edge_index"] = jax.random.randint(ks[1], (2, E), 0, N, jnp.int32)
    inp["edge_feat"] = jax.random.normal(ks[2], (E, D), jnp.float32)
    inp["W_A"] = jax.random.normal(ks[3], (D, D), jnp.float32) * s
    inp["b_A"] = jnp.zeros((D,), jnp.float32)
    inp["W_B"] = jax.random.normal(ks[4], (D, D), jnp.float32) * s
    inp["b_B"] = jnp.zeros((D,), jnp.float32)
    inp["W_ih1"] = jax.random.normal(ks[5], (3 * D, D), jnp.float32) * s
    inp["W_hh1"] = jax.random.normal(ks[6], (3 * D, D), jnp.float32) * s
    inp["b_ih1"] = jnp.zeros((3 * D,), jnp.float32)
    inp["b_hh1"] = jnp.zeros((3 * D,), jnp.float32)
    inp["W_ih2"] = jax.random.normal(ks[7], (3 * D, D), jnp.float32) * s
    inp["W_hh2"] = jax.random.normal(ks[8], (3 * D, D), jnp.float32) * s
    inp["b_ih2"] = jnp.zeros((3 * D,), jnp.float32)
    inp["b_hh2"] = jnp.zeros((3 * D,), jnp.float32)
    inp["gamma_h"] = jnp.ones((D,), jnp.float32)
    inp["beta_h"] = jnp.zeros((D,), jnp.float32)
    inp["gamma_e"] = jnp.ones((D,), jnp.float32)
    inp["beta_e"] = jnp.zeros((D,), jnp.float32)
    return inp


def reference(node_feat, edge_index, edge_feat, W_A, b_A, W_B, b_B,
              W_ih1, W_hh1, b_ih1, b_hh1, W_ih2, W_hh2, b_ih2, b_hh2,
              gamma_h, beta_h, gamma_e, beta_e):
    src = edge_index[0]
    dst = edge_index[1]
    # L == 1: edge_feat is used directly as e
    e = edge_feat
    h_in = node_feat
    e_in = e
    Ah = node_feat @ W_A.T + b_A
    Bh = node_feat @ W_B.T + b_B
    # message + reduce: h_i = Ah_i + sum_j(sigma(e_ij) * Bh_j) / (sum_j sigma(e_ij) + 1e-6)
    sigma = jax.nn.sigmoid(e)
    Bh_j = jnp.take(Bh, src, axis=0)
    num = jax.ops.segment_sum(sigma * Bh_j, dst, num_segments=N)
    den = jax.ops.segment_sum(sigma, dst, num_segments=N)
    indeg = jax.ops.segment_sum(jnp.ones((E, 1), jnp.float32), dst, num_segments=N)
    h_agg = Ah + num / (den + 1e-6)
    # DGL update_all only overwrites 'h' for nodes that received messages
    h = jnp.where(indeg > 0, h_agg, node_feat)
    # apply_edges: gather updated src/dst node states, then two chained GRU cells on edge state
    src_h = jnp.take(h, src, axis=0)
    dst_h = jnp.take(h, dst, axis=0)
    e1 = _gru_cell(src_h, e, W_ih1, W_hh1, b_ih1, b_hh1)
    e2 = _gru_cell(dst_h, e1, W_ih2, W_hh2, b_ih2, b_hh2)
    h = _bn(h, gamma_h, beta_h)
    e_out = _bn(e2, gamma_e, beta_e)
    h = jax.nn.relu(h)
    e_out = jax.nn.relu(e_out)
    h = h_in + h
    e_out = e_in + e_out
    return (h, e_out)

if __name__ == "__main__":
    import jax
    _d = setup_inputs()
    print(jax.jit(kernel)(*tuple(_d.values())))

</pallas_src>

<mosaic_0001>
#map = affine_map<(d0, d1) -> (0, 0)>
#map1 = affine_map<(d0, d1) -> (0)>
module attributes {stable_mosaic.version = 14 : i64} {
  func.func @k(%arg0: i32, %arg1: i32, %arg2: memref<50000x128xf32, #tpu.memory_space<hbm>>, %arg3: memref<800000xi32, #tpu.memory_space<hbm>>, %arg4: memref<800000x128xf32, #tpu.memory_space<hbm>>, %arg5: memref<200xi32, #tpu.memory_space<vmem>>, %arg6: memref<200x128xf32, #tpu.memory_space<vmem>>, %arg7: memref<!tpu.dma_semaphore, #tpu.memory_space<semaphore_mem>>) attributes {dimension_semantics = [#tpu.dimension_semantics<core_parallel>, #tpu.dimension_semantics<subcore_parallel>], iteration_bounds = array<i64: 2, 16>, scalar_prefetch = 0 : i64, scratch_operands = 3 : i64, tpu.core_type = #tpu.core_type<sc_vector_subcore>, window_params = [{transform_indices = #map}, {transform_indices = #map1}, {transform_indices = #map}]} {
    %mul3A = arith.constant 2 : i32
    %mul3A_0 = arith.muli %arg1, %mul3A : i32
    %add3A = arith.addi %mul3A_0, %arg0 : i32
    %mul3A_1 = arith.constant 25000 : i32
    %mul3A_2 = arith.muli %add3A, %mul3A_1 : i32
    %scan3A = arith.constant 0 : i32
    %scan3A_3 = arith.constant 0 : i32
    %scan3A_4 = arith.constant 125 : i32
    %scan3A_5 = arith.addi %scan3A_3, %scan3A_4 : i32
    %scan3A_6 = arith.constant 1 : i32
    %scan3A_7 = scf.for %scan3A_9 = %scan3A_3 to %scan3A_5 step %scan3A_6 iter_args(%scan3A_10 = %scan3A) -> (i32)  : i32 {
      %mul3A_11 = arith.constant 200 : i32
      %mul3A_12 = arith.muli %scan3A_9, %mul3A_11 : i32
      %add3A_13 = arith.addi %mul3A_2, %mul3A_12 : i32
      "tpu.region"() ({
        %run_scoped3A = tpu.sem_alloc : memref<!tpu.dma_semaphore, #tpu.memory_space<semaphore_mem>>
        %dma_start3A_19 = tpu.memref_slice %arg3[%add3A_13] : memref<800000xi32, #tpu.memory_space<hbm>> -> memref<200xi32, #tpu.memory_space<hbm>>
        %dma_start3A_20 = tpu.memref_slice %arg3[%add3A_13] : memref<800000xi32, #tpu.memory_space<hbm>> -> memref<200xi32, #tpu.memory_space<hbm>>
        tpu.enqueue_dma source(%dma_start3A_20 : memref<200xi32, #tpu.memory_space<hbm>>) target(%arg5 : memref<200xi32, #tpu.memory_space<vmem>>) target_semaphore(%run_scoped3A : memref<!tpu.dma_semaphore, #tpu.memory_space<semaphore_mem>>)
        %dma_wait3A_21 = tpu.memref_slice %arg3[%add3A_13] : memref<800000xi32, #tpu.memory_space<hbm>> -> memref<200xi32, #tpu.memory_space<hbm>>
        %dma_wait3A_22 = tpu.memref_slice %arg3[%add3A_13] : memref<800000xi32, #tpu.memory_space<hbm>> -> memref<200xi32, #tpu.memory_space<hbm>>
        tpu.wait_dma2 semaphore(%run_scoped3A : memref<!tpu.dma_semaphore, #tpu.memory_space<semaphore_mem>>) src(%dma_wait3A_22 : memref<200xi32, #tpu.memory_space<hbm>>) dst(%arg5 : memref<200xi32, #tpu.memory_space<vmem>>)
        tpu.yield
      }) : () -> ()
      %dma_start3A = arith.constant 0 : i32
      %dma_start3A_14 = arith.constant 0 : i32
      %dma_start3A_15 = tpu.memref_slice %arg2[%dma_start3A, %dma_start3A_14] : memref<50000x128xf32, #tpu.memory_space<hbm>> -> memref<50000x128xf32, #tpu.memory_space<hbm>>
      tpu.enqueue_indirect_dma source(%dma_start3A_15 : memref<50000x128xf32, #tpu.memory_space<hbm>>) target(%arg6 : memref<200x128xf32, #tpu.memory_space<vmem>>) offsets(%arg5 : memref<200xi32, #tpu.memory_space<vmem>>) semaphore(%arg7 : memref<!tpu.dma_semaphore, #tpu.memory_space<semaphore_mem>>)
      %dma_wait3A = arith.constant 0 : i32
      %dma_wait3A_16 = arith.constant 0 : i32
      %dma_wait3A_17 = tpu.memref_slice %arg2[%dma_wait3A, %dma_wait3A_16] : memref<50000x128xf32, #tpu.memory_space<hbm>> -> memref<50000x128xf32, #tpu.memory_space<hbm>>
      tpu.wait_indirect_dma semaphore(%arg7 : memref<!tpu.dma_semaphore, #tpu.memory_space<semaphore_mem>>) src(%dma_wait3A_17 : memref<50000x128xf32, #tpu.memory_space<hbm>>) dst(%arg6 : memref<200x128xf32, #tpu.memory_space<vmem>>)
      "tpu.region"() ({
        %run_scoped3A = tpu.sem_alloc : memref<!tpu.dma_semaphore, #tpu.memory_space<semaphore_mem>>
        %dma_start3A_19 = arith.constant 0 : i32
        %dma_start3A_20 = tpu.memref_slice %arg4[%add3A_13, %dma_start3A_19] : memref<800000x128xf32, #tpu.memory_space<hbm>> -> memref<200x128xf32, #tpu.memory_space<hbm>>
        %dma_start3A_21 = arith.constant 0 : i32
        %dma_start3A_22 = tpu.memref_slice %arg4[%add3A_13, %dma_start3A_21] : memref<800000x128xf32, #tpu.memory_space<hbm>> -> memref<200x128xf32, #tpu.memory_space<hbm>>
        tpu.enqueue_dma source(%arg6 : memref<200x128xf32, #tpu.memory_space<vmem>>) target(%dma_start3A_22 : memref<200x128xf32, #tpu.memory_space<hbm>>) target_semaphore(%run_scoped3A : memref<!tpu.dma_semaphore, #tpu.memory_space<semaphore_mem>>)
        %dma_wait3A_23 = arith.constant 0 : i32
        %dma_wait3A_24 = tpu.memref_slice %arg4[%add3A_13, %dma_wait3A_23] : memref<800000x128xf32, #tpu.memory_space<hbm>> -> memref<200x128xf32, #tpu.memory_space<hbm>>
        %dma_wait3A_25 = arith.constant 0 : i32
        %dma_wait3A_26 = tpu.memref_slice %arg4[%add3A_13, %dma_wait3A_25] : memref<800000x128xf32, #tpu.memory_space<hbm>> -> memref<200x128xf32, #tpu.memory_space<hbm>>
        tpu.wait_dma2 semaphore(%run_scoped3A : memref<!tpu.dma_semaphore, #tpu.memory_space<semaphore_mem>>) src(%arg6 : memref<200x128xf32, #tpu.memory_space<vmem>>) dst(%dma_wait3A_26 : memref<200x128xf32, #tpu.memory_space<hbm>>)
        tpu.yield
      }) : () -> ()
      %scan3A_18 = arith.constant 0 : i32
      scf.yield %scan3A_18 : i32
    }
    %scan3A_8 = arith.constant 125 : i32
    return
  }
}

#map = affine_map<(d0, d1) -> (0, 0)>
#map1 = affine_map<(d0, d1) -> (0)>
module attributes {stable_mosaic.version = 14 : i64} {
  func.func @k(%arg0: i32, %arg1: i32, %arg2: memref<50000x128xf32, #tpu.memory_space<hbm>>, %arg3: memref<800000xi32, #tpu.memory_space<hbm>>, %arg4: memref<800000xi32, #tpu.memory_space<hbm>>, %arg5: memref<800000x128xf32, #tpu.memory_space<hbm>>, %arg6: memref<800000x128xf32, #tpu.memory_space<hbm>>, %arg7: memref<200xi32, #tpu.memory_space<vmem>>, %arg8: memref<200xi32, #tpu.memory_space<vmem>>, %arg9: memref<200x128xf32, #tpu.memory_space<vmem>>, %arg10: memref<200x128xf32, #tpu.memory_space<vmem>>, %arg11: memref<!tpu.dma_semaphore, #tpu.memory_space<semaphore_mem>>, %arg12: memref<!tpu.dma_semaphore, #tpu.memory_space<semaphore_mem>>) attributes {dimension_semantics = [#tpu.dimension_semantics<core_parallel>, #tpu.dimension_semantics<subcore_parallel>], iteration_bounds = array<i64: 2, 16>, scalar_prefetch = 0 : i64, scratch_operands = 6 : i64, tpu.core_type = #tpu.core_type<sc_vector_subcore>, window_params = [{transform_indices = #map}, {transform_indices = #map1}, {transform_indices = #map1}, {transform_indices = #map}, {transform_indices = #map}]} {
    %mul3A = arith.constant 2 : i32
    %mul3A_0 = arith.muli %arg1, %mul3A : i32
    %add3A = arith.addi %mul3A_0, %arg0 : i32
    %mul3A_1 = arith.constant 25000 : i32
    %mul3A_2 = arith.muli %add3A, %mul3A_1 : i32
    %scan3A = arith.constant 0 : i32
    %scan3A_3 = arith.constant 0 : i32
    %scan3A_4 = arith.constant 125 : i32
    %scan3A_5 = arith.addi %scan3A_3, %scan3A_4 : i32
    %scan3A_6 = arith.constant 1 : i32
    %scan3A_7 = scf.for %scan3A_9 = %scan3A_3 to %scan3A_5 step %scan3A_6 iter_args(%scan3A_10 = %scan3A) -> (i32)  : i32 {
      %mul3A_11 = arith.constant 200 : i32
      %mul3A_12 = arith.muli %scan3A_9, %mul3A_11 : i32
      %add3A_13 = arith.addi %mul3A_2, %mul3A_12 : i32
      "tpu.region"() ({
        %run_scoped3A = tpu.sem_alloc : memref<!tpu.dma_semaphore, #tpu.memory_space<semaphore_mem>>
        %dma_start3A_25 = tpu.memref_slice %arg3[%add3A_13] : memref<800000xi32, #tpu.memory_space<hbm>> -> memref<200xi32, #tpu.memory_space<hbm>>
        %dma_start3A_26 = tpu.memref_slice %arg3[%add3A_13] : memref<800000xi32, #tpu.memory_space<hbm>> -> memref<200xi32, #tpu.memory_space<hbm>>
        tpu.enqueue_dma source(%dma_start3A_26 : memref<200xi32, #tpu.memory_space<hbm>>) target(%arg7 : memref<200xi32, #tpu.memory_space<vmem>>) target_semaphore(%run_scoped3A : memref<!tpu.dma_semaphore, #tpu.memory_space<semaphore_mem>>)
        %dma_wait3A_27 = tpu.memref_slice %arg3[%add3A_13] : memref<800000xi32, #tpu.memory_space<hbm>> -> memref<200xi32, #tpu.memory_space<hbm>>
        %dma_wait3A_28 = tpu.memref_slice %arg3[%add3A_13] : memref<800000xi32, #tpu.memory_space<hbm>> -> memref<200xi32, #tpu.memory_space<hbm>>
        tpu.wait_dma2 semaphore(%run_scoped3A : memref<!tpu.dma_semaphore, #tpu.memory_space<semaphore_mem>>) src(%dma_wait3A_28 : memref<200xi32, #tpu.memory_space<hbm>>) dst(%arg7 : memref<200xi32, #tpu.memory_space<vmem>>)
        tpu.yield
      }) : () -> ()
      "tpu.region"() ({
        %run_scoped3A = tpu.sem_alloc : memref<!tpu.dma_semaphore, #tpu.memory_space<semaphore_mem>>
        %dma_start3A_25 = tpu.memref_slice %arg4[%add3A_13] : memref<800000xi32, #tpu.memory_space<hbm>> -> memref<200xi32, #tpu.memory_space<hbm>>
        %dma_start3A_26 = tpu.memref_slice %arg4[%add3A_13] : memref<800000xi32, #tpu.memory_space<hbm>> -> memref<200xi32, #tpu.memory_space<hbm>>
        tpu.enqueue_dma source(%dma_start3A_26 : memref<200xi32, #tpu.memory_space<hbm>>) target(%arg8 : memref<200xi32, #tpu.memory_space<vmem>>) target_semaphore(%run_scoped3A : memref<!tpu.dma_semaphore, #tpu.memory_space<semaphore_mem>>)
        %dma_wait3A_27 = tpu.memref_slice %arg4[%add3A_13] : memref<800000xi32, #tpu.memory_space<hbm>> -> memref<200xi32, #tpu.memory_space<hbm>>
        %dma_wait3A_28 = tpu.memref_slice %arg4[%add3A_13] : memref<800000xi32, #tpu.memory_space<hbm>> -> memref<200xi32, #tpu.memory_space<hbm>>
        tpu.wait_dma2 semaphore(%run_scoped3A : memref<!tpu.dma_semaphore, #tpu.memory_space<semaphore_mem>>) src(%dma_wait3A_28 : memref<200xi32, #tpu.memory_space<hbm>>) dst(%arg8 : memref<200xi32, #tpu.memory_space<vmem>>)
        tpu.yield
      }) : () -> ()
      %dma_start3A = arith.constant 0 : i32
      %dma_start3A_14 = arith.constant 0 : i32
      %dma_start3A_15 = tpu.memref_slice %arg2[%dma_start3A, %dma_start3A_14] : memref<50000x128xf32, #tpu.memory_space<hbm>> -> memref<50000x128xf32, #tpu.memory_space<hbm>>
      tpu.enqueue_indirect_dma source(%dma_start3A_15 : memref<50000x128xf32, #tpu.memory_space<hbm>>) target(%arg9 : memref<200x128xf32, #tpu.memory_space<vmem>>) offsets(%arg7 : memref<200xi32, #tpu.memory_space<vmem>>) semaphore(%arg11 : memref<!tpu.dma_semaphore, #tpu.memory_space<semaphore_mem>>)
      %dma_start3A_16 = arith.constant 0 : i32
      %dma_start3A_17 = arith.constant 0 : i32
      %dma_start3A_18 = tpu.memref_slice %arg2[%dma_start3A_16, %dma_start3A_17] : memref<50000x128xf32, #tpu.memory_space<hbm>> -> memref<50000x128xf32, #tpu.memory_space<hbm>>
      tpu.enqueue_indirect_dma source(%dma_start3A_18 : memref<50000x128xf32, #tpu.memory_space<hbm>>) target(%arg10 : memref<200x128xf32, #tpu.memory_space<vmem>>) offsets(%arg8 : memref<200xi32, #tpu.memory_space<vmem>>) semaphore(%arg12 : memref<!tpu.dma_semaphore, #tpu.memory_space<semaphore_mem>>)
      %dma_wait3A = arith.constant 0 : i32
      %dma_wait3A_19 = arith.constant 0 : i32
      %dma_wait3A_20 = tpu.memref_slice %arg2[%dma_wait3A, %dma_wait3A_19] : memref<50000x128xf32, #tpu.memory_space<hbm>> -> memref<50000x128xf32, #tpu.memory_space<hbm>>
      tpu.wait_indirect_dma semaphore(%arg11 : memref<!tpu.dma_semaphore, #tpu.memory_space<semaphore_mem>>) src(%dma_wait3A_20 : memref<50000x128xf32, #tpu.memory_space<hbm>>) dst(%arg9 : memref<200x128xf32, #tpu.memory_space<vmem>>)
      "tpu.region"() ({
        %run_scoped3A = tpu.sem_alloc : memref<!tpu.dma_semaphore, #tpu.memory_space<semaphore_mem>>
        %dma_start3A_25 = arith.constant 0 : i32
        %dma_start3A_26 = tpu.memref_slice %arg5[%add3A_13, %dma_start3A_25] : memref<800000x128xf32, #tpu.memory_space<hbm>> -> memref<200x128xf32, #tpu.memory_space<hbm>>
        %dma_start3A_27 = arith.constant 0 : i32
        %dma_start3A_28 = tpu.memref_slice %arg5[%add3A_13, %dma_start3A_27] : memref<800000x128xf32, #tpu.memory_space<hbm>> -> memref<200x128xf32, #tpu.memory_space<hbm>>
        tpu.enqueue_dma source(%arg9 : memref<200x128xf32, #tpu.memory_space<vmem>>) target(%dma_start3A_28 : memref<200x128xf32, #tpu.memory_space<hbm>>) target_semaphore(%run_scoped3A : memref<!tpu.dma_semaphore, #tpu.memory_space<semaphore_mem>>)
        %dma_wait3A_29 = arith.constant 0 : i32
        %dma_wait3A_30 = tpu.memref_slice %arg5[%add3A_13, %dma_wait3A_29] : memref<800000x128xf32, #tpu.memory_space<hbm>> -> memref<200x128xf32, #tpu.memory_space<hbm>>
        %dma_wait3A_31 = arith.constant 0 : i32
        %dma_wait3A_32 = tpu.memref_slice %arg5[%add3A_13, %dma_wait3A_31] : memref<800000x128xf32, #tpu.memory_space<hbm>> -> memref<200x128xf32, #tpu.memory_space<hbm>>
        tpu.wait_dma2 semaphore(%run_scoped3A : memref<!tpu.dma_semaphore, #tpu.memory_space<semaphore_mem>>) src(%arg9 : memref<200x128xf32, #tpu.memory_space<vmem>>) dst(%dma_wait3A_32 : memref<200x128xf32, #tpu.memory_space<hbm>>)
        tpu.yield
      }) : () -> ()
      %dma_wait3A_21 = arith.constant 0 : i32
      %dma_wait3A_22 = arith.constant 0 : i32
      %dma_wait3A_23 = tpu.memref_slice %arg2[%dma_wait3A_21, %dma_wait3A_22] : memref<50000x128xf32, #tpu.memory_space<hbm>> -> memref<50000x128xf32, #tpu.memory_space<hbm>>
      tpu.wait_indirect_dma semaphore(%arg12 : memref<!tpu.dma_semaphore, #tpu.memory_space<semaphore_mem>>) src(%dma_wait3A_23 : memref<50000x128xf32, #tpu.memory_space<hbm>>) dst(%arg10 : memref<200x128xf32, #tpu.memory_space<vmem>>)
      "tpu.region"() ({
        %run_scoped3A = tpu.sem_alloc : memref<!tpu.dma_semaphore, #tpu.memory_space<semaphore_mem>>
        %dma_start3A_25 = arith.constant 0 : i32
        %dma_start3A_26 = tpu.memref_slice %arg6[%add3A_13, %dma_start3A_25] : memref<800000x128xf32, #tpu.memory_space<hbm>> -> memref<200x128xf32, #tpu.memory_space<hbm>>
        %dma_start3A_27 = arith.constant 0 : i32
        %dma_start3A_28 = tpu.memref_slice %arg6[%add3A_13, %dma_start3A_27] : memref<800000x128xf32, #tpu.memory_space<hbm>> -> memref<200x128xf32, #tpu.memory_space<hbm>>
        tpu.enqueue_dma source(%arg10 : memref<200x128xf32, #tpu.memory_space<vmem>>) target(%dma_start3A_28 : memref<200x128xf32, #tpu.memory_space<hbm>>) target_semaphore(%run_scoped3A : memref<!tpu.dma_semaphore, #tpu.memory_space<semaphore_mem>>)
        %dma_wait3A_29 = arith.constant 0 : i32
        %dma_wait3A_30 = tpu.memref_slice %arg6[%add3A_13, %dma_wait3A_29] : memref<800000x128xf32, #tpu.memory_space<hbm>> -> memref<200x128xf32, #tpu.memory_space<hbm>>
        %dma_wait3A_31 = arith.constant 0 : i32
        %dma_wait3A_32 = tpu.memref_slice %arg6[%add3A_13, %dma_wait3A_31] : memref<800000x128xf32, #tpu.memory_space<hbm>> -> memref<200x128xf32, #tpu.memory_space<hbm>>
        tpu.wait_dma2 semaphore(%run_scoped3A : memref<!tpu.dma_semaphore, #tpu.memory_space<semaphore_mem>>) src(%arg10 : memref<200x128xf32, #tpu.memory_space<vmem>>) dst(%dma_wait3A_32 : memref<200x128xf32, #tpu.memory_space<hbm>>)
        tpu.yield
      }) : () -> ()
      %scan3A_24 = arith.constant 0 : i32
      scf.yield %scan3A_24 : i32
    }
    %scan3A_8 = arith.constant 125 : i32
    return
  }
}

module attributes {stable_mosaic.version = 14 : i64} {
  func.func @_ab_body(%arg0: i32, %arg1: memref<5000x96xf32, #tpu.memory_space<vmem>>, %arg2: memref<96x128xf32, #tpu.memory_space<vmem>>, %arg3: memref<1x128xf32, #tpu.memory_space<vmem>>, %arg4: memref<96x128xf32, #tpu.memory_space<vmem>>, %arg5: memref<1x128xf32, #tpu.memory_space<vmem>>, %arg6: memref<5000x128xf32, #tpu.memory_space<vmem>>, %arg7: memref<5000x128xf32, #tpu.memory_space<vmem>>) attributes {dimension_semantics = [#tpu.dimension_semantics<arbitrary>], iteration_bounds = array<i64: 10>, scalar_prefetch = 0 : i64, scratch_operands = 0 : i64, tpu.core_type = #tpu.core_type<tc>, window_params = [{transform_indices = @transform_0, window_bounds = array<i64: 5000, 96>}, {pipeline_mode = #tpu.pipeline_mode<synchronous>, transform_indices = @transform_1, window_bounds = array<i64: 96, 128>}, {pipeline_mode = #tpu.pipeline_mode<synchronous>, transform_indices = @transform_2, window_bounds = array<i64: 1, 128>}, {pipeline_mode = #tpu.pipeline_mode<synchronous>, transform_indices = @transform_3, window_bounds = array<i64: 96, 128>}, {pipeline_mode = #tpu.pipeline_mode<synchronous>, transform_indices = @transform_4, window_bounds = array<i64: 1, 128>}, {transform_indices = @transform_5, window_bounds = array<i64: 5000, 128>}, {transform_indices = @transform_6, window_bounds = array<i64: 5000, 128>}]} {
    %get3A = arith.constant 0 : index
    %get3A_0 = arith.constant 0 : index
    %get3A_1 = vector.load %arg1[%get3A, %get3A_0] : memref<5000x96xf32, #tpu.memory_space<vmem>>, vector<5000x96xf32>
    %get3A_2 = arith.constant 0 : index
    %get3A_3 = arith.constant 0 : index
    %get3A_4 = vector.load %arg2[%get3A_2, %get3A_3] : memref<96x128xf32, #tpu.memory_space<vmem>>, vector<96x128xf32>
    %dot_general3A = arith.constant dense<0.000000e+00> : vector<5000x128xf32>
    %dot_general3A_5 = tpu.matmul %get3A_1, %get3A_4, %dot_general3A {dimension_numbers = #tpu.dot_dimension_numbers<[1], [0], [0], [1], [0, 0, 1, 1], [], []>, transpose_lhs_hint = false} : vector<5000x96xf32>, vector<96x128xf32>, vector<5000x128xf32> -> vector<5000x128xf32>
    %get3A_6 = arith.constant 0 : index
    %get3A_7 = arith.constant 0 : index
    %get3A_8 = vector.load %arg3[%get3A_6, %get3A_7] : memref<1x128xf32, #tpu.memory_space<vmem>>, vector<1x128xf32>
    %add3A = vector.broadcast %get3A_8 : vector<1x128xf32> to vector<5000x128xf32>
    %add3A_9 = arith.addf %dot_general3A_5, %add3A : vector<5000x128xf32>
    %swap3A = arith.constant 0 : index
    %swap3A_10 = arith.constant 0 : index
    %swap3A_11 = vector.load %arg6[%swap3A, %swap3A_10] : memref<5000x128xf32, #tpu.memory_space<vmem>>, vector<5000x128xf32>
    tpu.vector_store %arg6[%swap3A, %swap3A_10], %add3A_9 {strides = array<i32>} : memref<5000x128xf32, #tpu.memory_space<vmem>>, vector<5000x128xf32>,
    %get3A_12 = arith.constant 0 : index
    %get3A_13 = arith.constant 0 : index
    %get3A_14 = vector.load %arg4[%get3A_12, %get3A_13] : memref<96x128xf32, #tpu.memory_space<vmem>>, vector<96x128xf32>
    %dot_general3A_15 = arith.constant dense<0.000000e+00> : vector<5000x128xf32>
    %dot_general3A_16 = tpu.matmul %get3A_1, %get3A_14, %dot_general3A_15 {dimension_numbers = #tpu.dot_dimension_numbers<[1], [0], [0], [1], [0, 0, 1, 1], [], []>, transpose_lhs_hint = false} : vector<5000x96xf32>, vector<96x128xf32>, vector<5000x128xf32> -> vector<5000x128xf32>
    %get3A_17 = arith.constant 0 : index
    %get3A_18 = arith.constant 0 : index
    %get3A_19 = vector.load %arg5[%get3A_17, %get3A_18] : memref<1x128xf32, #tpu.memory_space<vmem>>, vector<1x128xf32>
    %add3A_20 = vector.broadcast %get3A_19 : vector<1x128xf32> to vector<5000x128xf32>
    %add3A_21 = arith.addf %dot_general3A_16, %add3A_20 : vector<5000x128xf32>
    %swap3A_22 = arith.constant 0 : index
    %swap3A_23 = arith.constant 0 : index
    %swap3A_24 = vector.load %arg7[%swap3A_22, %swap3A_23] : memref<5000x128xf32, #tpu.memory_space<vmem>>, vector<5000x128xf32>
    tpu.vector_store %arg7[%swap3A_22, %swap3A_23], %add3A_21 {strides = array<i32>} : memref<5000x128xf32, #tpu.memory_space<vmem>>, vector<5000x128xf32>,
    return
  }
  func.func @transform_0(%arg0: i32) -> (i32, i32) {
    %c0_i32 = arith.constant 0 : i32
    %c0_i32_0 = arith.constant 0 : i32
    return %arg0, %c0_i32 : i32, i32
  }
  func.func @transform_1(%arg0: i32) -> (i32, i32) {
    %c0_i32 = arith.constant 0 : i32
    %c0_i32_0 = arith.constant 0 : i32
    %c0_i32_1 = arith.constant 0 : i32
    return %c0_i32, %c0_i32_0 : i32, i32
  }
  func.func @transform_2(%arg0: i32) -> (i32, i32) {
    %c0_i32 = arith.constant 0 : i32
    %c0_i32_0 = arith.constant 0 : i32
    %c0_i32_1 = arith.constant 0 : i32
    return %c0_i32, %c0_i32_0 : i32, i32
  }
  func.func @transform_3(%arg0: i32) -> (i32, i32) {
    %c0_i32 = arith.constant 0 : i32
    %c0_i32_0 = arith.constant 0 : i32
    %c0_i32_1 = arith.constant 0 : i32
    return %c0_i32, %c0_i32_0 : i32, i32
  }
  func.func @transform_4(%arg0: i32) -> (i32, i32) {
    %c0_i32 = arith.constant 0 : i32
    %c0_i32_0 = arith.constant 0 : i32
    %c0_i32_1 = arith.constant 0 : i32
    return %c0_i32, %c0_i32_0 : i32, i32
  }
  func.func @transform_5(%arg0: i32) -> (i32, i32) {
    %c0_i32 = arith.constant 0 : i32
    %c0_i32_0 = arith.constant 0 : i32
    return %arg0, %c0_i32 : i32, i32
  }
  func.func @transform_6(%arg0: i32) -> (i32, i32) {
    %c0_i32 = arith.constant 0 : i32
    %c0_i32_0 = arith.constant 0 : i32
    return %arg0, %c0_i32 : i32, i32
  }
}

module attributes {stable_mosaic.version = 14 : i64} {
  func.func @_node_body(%arg0: i32, %arg1: memref<5000x96xf32, #tpu.memory_space<vmem>>, %arg2: memref<5000x128xf32, #tpu.memory_space<vmem>>, %arg3: memref<5000x96xf32, #tpu.memory_space<vmem>>, %arg4: memref<5000x96xf32, #tpu.memory_space<vmem>>, %arg5: memref<5000x128xf32, #tpu.memory_space<vmem>>, %arg6: memref<8x128xf32, #tpu.memory_space<vmem>>) attributes {dimension_semantics = [#tpu.dimension_semantics<arbitrary>], iteration_bounds = array<i64: 10>, scalar_prefetch = 0 : i64, scratch_operands = 0 : i64, tpu.core_type = #tpu.core_type<tc>, window_params = [{transform_indices = @transform_0, window_bounds = array<i64: 5000, 96>}, {transform_indices = @transform_1, window_bounds = array<i64: 5000, 128>}, {transform_indices = @transform_2, window_bounds = array<i64: 5000, 96>}, {transform_indices = @transform_3, window_bounds = array<i64: 5000, 96>}, {transform_indices = @transform_4, window_bounds = array<i64: 5000, 128>}, {pipeline_mode = #tpu.pipeline_mode<synchronous>, transform_indices = @transform_5, window_bounds = array<i64: 8, 128>}]} {
    %get3A = arith.constant 0 : index
    %get3A_0 = arith.constant 0 : index
    %get3A_1 = vector.load %arg4[%get3A, %get3A_0] : memref<5000x96xf32, #tpu.memory_space<vmem>>, vector<5000x96xf32>
    %broadcast_in_dim3A = arith.constant 0.000000e+00 : f32
    %broadcast_in_dim3A_2 = vector.broadcast %broadcast_in_dim3A : f32 to vector<5000x32xf32>
    %get3A_3 = arith.constant 0 : index
    %get3A_4 = arith.constant 0 : index
    %get3A_5 = vector.load %arg2[%get3A_3, %get3A_4] : memref<5000x128xf32, #tpu.memory_space<vmem>>, vector<5000x128xf32>
    %get3A_6 = arith.constant 0 : index
    %get3A_7 = arith.constant 0 : index
    %get3A_8 = vector.load %arg3[%get3A_6, %get3A_7] : memref<5000x96xf32, #tpu.memory_space<vmem>>, vector<5000x96xf32>
    %add3A = arith.constant 9.99999997E-7 : f32
    %add3A_9 = vector.broadcast %add3A : f32 to vector<5000x96xf32>
    %add3A_10 = arith.addf %get3A_1, %add3A_9 : vector<5000x96xf32>
    %div3A = arith.divf %get3A_8, %add3A_10 : vector<5000x96xf32>
    %concatenate3A = tpu.concatenate %div3A, %broadcast_in_dim3A_2 in 1 : vector<5000x96xf32>, vector<5000x32xf32> -> vector<5000x128xf32>
    %add3A_11 = arith.addf %get3A_5, %concatenate3A : vector<5000x128xf32>
    %slice3A = vector.extract_strided_slice %get3A_1 {offsets = [0, 0], sizes = [5000, 1], strides = [1, 1]} : vector<5000x96xf32> to vector<5000x1xf32>
    %gt3A = arith.constant 0.000000e+00 : f32
    %gt3A_12 = vector.broadcast %gt3A : f32 to vector<5000x1xf32>
    %gt3A_13 = arith.cmpf ogt, %slice3A, %gt3A_12 : vector<5000x1xf32>
    %get3A_14 = arith.constant 0 : index
    %get3A_15 = arith.constant 0 : index
    %get3A_16 = vector.load %arg1[%get3A_14, %get3A_15] : memref<5000x96xf32, #tpu.memory_space<vmem>>, vector<5000x96xf32>
    %concatenate3A_17 = tpu.concatenate %get3A_16, %broadcast_in_dim3A_2 in 1 : vector<5000x96xf32>, vector<5000x32xf32> -> vector<5000x128xf32>
    %broadcast_in_dim3A_18 = vector.shape_cast %gt3A_13 : vector<5000x1xi1> to vector<5000x1xi1>
    %broadcast_in_dim3A_19 = vector.broadcast %broadcast_in_dim3A_18 : vector<5000x1xi1> to vector<5000x128xi1>
    %select_n3A = arith.select %broadcast_in_dim3A_19, %add3A_11, %concatenate3A_17 : vector<5000x128xi1>, vector<5000x128xf32>
    %swap3A = arith.constant 0 : index
    %swap3A_20 = arith.constant 0 : index
    %swap3A_21 = vector.load %arg5[%swap3A, %swap3A_20] : memref<5000x128xf32, #tpu.memory_space<vmem>>, vector<5000x128xf32>
    tpu.vector_store %arg5[%swap3A, %swap3A_20], %select_n3A {strides = array<i32>} : memref<5000x128xf32, #tpu.memory_space<vmem>>, vector<5000x128xf32>,
    %eq3A = arith.constant 0 : i32
    %eq3A_22 = arith.cmpi eq, %arg0, %eq3A : i32
    %convert_element_type3A = arith.extui %eq3A_22 : i1 to i32
    %cond3A = arith.constant 0 : i32
    %cond3A_23 = arith.cmpi ne, %convert_element_type3A, %cond3A : i32
    scf.if %cond3A_23 {
      %broadcast_in_dim3A_43 = arith.constant 0.000000e+00 : f32
      %broadcast_in_dim3A_44 = vector.broadcast %broadcast_in_dim3A_43 : f32 to vector<8x128xf32>
      %swap3A_45 = arith.constant 0 : index
      %swap3A_46 = arith.constant 0 : index
      %swap3A_47 = vector.load %arg6[%swap3A_45, %swap3A_46] : memref<8x128xf32, #tpu.memory_space<vmem>>, vector<8x128xf32>
      tpu.vector_store %arg6[%swap3A_45, %swap3A_46], %broadcast_in_dim3A_44 {strides = array<i32>} : memref<8x128xf32, #tpu.memory_space<vmem>>, vector<8x128xf32>,
    } else {
    }
    %get3A_24 = arith.constant 0 : index
    %get3A_25 = arith.constant 0 : index
    %get3A_26 = vector.load %arg6[%get3A_24, %get3A_25] : memref<8x128xf32, #tpu.memory_space<vmem>>, vector<1x128xf32>
    %reduce_sum3A = arith.constant dense<0.000000e+00> : vector<128xf32>
    %reduce_sum3A_27 = vector.multi_reduction <add>, %select_n3A, %reduce_sum3A [0] : vector<5000x128xf32> to vector<128xf32>
    %broadcast_in_dim3A_28 = vector.shape_cast %reduce_sum3A_27 : vector<128xf32> to vector<1x128xf32>
    %add3A_29 = arith.addf %get3A_26, %broadcast_in_dim3A_28 : vector<1x128xf32>
    %swap3A_30 = arith.constant 0 : index
    %swap3A_31 = arith.constant 0 : index
    %swap3A_32 = vector.load %arg6[%swap3A_30, %swap3A_31] : memref<8x128xf32, #tpu.memory_space<vmem>>, vector<1x128xf32>
    tpu.vector_store %arg6[%swap3A_30, %swap3A_31], %add3A_29 {strides = array<i32>} : memref<8x128xf32, #tpu.memory_space<vmem>>, vector<1x128xf32>,
    %get3A_33 = arith.constant 1 : index
    %get3A_34 = arith.constant 0 : index
    %get3A_35 = vector.load %arg6[%get3A_33, %get3A_34] : memref<8x128xf32, #tpu.memory_space<vmem>>, vector<1x128xf32>
    %mul3A = arith.mulf %select_n3A, %select_n3A : vector<5000x128xf32>
    %reduce_sum3A_36 = arith.constant dense<0.000000e+00> : vector<128xf32>
    %reduce_sum3A_37 = vector.multi_reduction <add>, %mul3A, %reduce_sum3A_36 [0] : vector<5000x128xf32> to vector<128xf32>
    %broadcast_in_dim3A_38 = vector.shape_cast %reduce_sum3A_37 : vector<128xf32> to vector<1x128xf32>
    %add3A_39 = arith.addf %get3A_35, %broadcast_in_dim3A_38 : vector<1x128xf32>
    %swap3A_40 = arith.constant 1 : index
    %swap3A_41 = arith.constant 0 : index
    %swap3A_42 = vector.load %arg6[%swap3A_40, %swap3A_41] : memref<8x128xf32, #tpu.memory_space<vmem>>, vector<1x128xf32>
    tpu.vector_store %arg6[%swap3A_40, %swap3A_41], %add3A_39 {strides = array<i32>} : memref<8x128xf32, #tpu.memory_space<vmem>>, vector<1x128xf32>,
    return
  }
  func.func @transform_0(%arg0: i32) -> (i32, i32) {
    %c0_i32 = arith.constant 0 : i32
    %c0_i32_0 = arith.constant 0 : i32
    return %arg0, %c0_i32 : i32, i32
  }
  func.func @transform_1(%arg0: i32) -> (i32, i32) {
    %c0_i32 = arith.constant 0 : i32
    %c0_i32_0 = arith.constant 0 : i32
    return %arg0, %c0_i32 : i32, i32
  }
  func.func @transform_2(%arg0: i32) -> (i32, i32) {
    %c0_i32 = arith.constant 0 : i32
    %c0_i32_0 = arith.constant 0 : i32
    return %arg0, %c0_i32 : i32, i32
  }
  func.func @transform_3(%arg0: i32) -> (i32, i32) {
    %c0_i32 = arith.constant 0 : i32
    %c0_i32_0 = arith.constant 0 : i32
    return %arg0, %c0_i32 : i32, i32
  }
  func.func @transform_4(%arg0: i32) -> (i32, i32) {
    %c0_i32 = arith.constant 0 : i32
    %c0_i32_0 = arith.constant 0 : i32
    return %arg0, %c0_i32 : i32, i32
  }
  func.func @transform_5(%arg0: i32) -> (i32, i32) {
    %c0_i32 = arith.constant 0 : i32
    %c0_i32_0 = arith.constant 0 : i32
    %c0_i32_1 = arith.constant 0 : i32
    return %c0_i32, %c0_i32_0 : i32, i32
  }
}

module attributes {stable_mosaic.version = 14 : i64} {
  func.func @_apply_body(%arg0: i32, %arg1: memref<5000x128xf32, #tpu.memory_space<vmem>>, %arg2: memref<5000x96xf32, #tpu.memory_space<vmem>>, %arg3: memref<1x96xf32, #tpu.memory_space<vmem>>, %arg4: memref<1x96xf32, #tpu.memory_space<vmem>>, %arg5: memref<5000x96xf32, #tpu.memory_space<vmem>>) attributes {dimension_semantics = [#tpu.dimension_semantics<arbitrary>], iteration_bounds = array<i64: 10>, scalar_prefetch = 0 : i64, scratch_operands = 0 : i64, tpu.core_type = #tpu.core_type<tc>, window_params = [{transform_indices = @transform_0, window_bounds = array<i64: 5000, 128>}, {transform_indices = @transform_1, window_bounds = array<i64: 5000, 96>}, {pipeline_mode = #tpu.pipeline_mode<synchronous>, transform_indices = @transform_2, window_bounds = array<i64: 1, 96>}, {pipeline_mode = #tpu.pipeline_mode<synchronous>, transform_indices = @transform_3, window_bounds = array<i64: 1, 96>}, {transform_indices = @transform_4, window_bounds = array<i64: 5000, 96>}]} {
    %get3A = arith.constant 0 : index
    %get3A_0 = arith.constant 0 : index
    %get3A_1 = vector.load %arg1[%get3A, %get3A_0] : memref<5000x128xf32, #tpu.memory_space<vmem>>, vector<5000x96xf32>
    %get3A_2 = arith.constant 0 : index
    %get3A_3 = arith.constant 0 : index
    %get3A_4 = vector.load %arg2[%get3A_2, %get3A_3] : memref<5000x96xf32, #tpu.memory_space<vmem>>, vector<5000x96xf32>
    %get3A_5 = arith.constant 0 : index
    %get3A_6 = arith.constant 0 : index
    %get3A_7 = vector.load %arg3[%get3A_5, %get3A_6] : memref<1x96xf32, #tpu.memory_space<vmem>>, vector<1x96xf32>
    %mul3A = vector.broadcast %get3A_7 : vector<1x96xf32> to vector<5000x96xf32>
    %mul3A_8 = arith.mulf %get3A_1, %mul3A : vector<5000x96xf32>
    %get3A_9 = arith.constant 0 : index
    %get3A_10 = arith.constant 0 : index
    %get3A_11 = vector.load %arg4[%get3A_9, %get3A_10] : memref<1x96xf32, #tpu.memory_space<vmem>>, vector<1x96xf32>
    %add3A = vector.broadcast %get3A_11 : vector<1x96xf32> to vector<5000x96xf32>
    %add3A_12 = arith.addf %mul3A_8, %add3A : vector<5000x96xf32>
    %max3A = arith.constant 0.000000e+00 : f32
    %max3A_13 = vector.broadcast %max3A : f32 to vector<5000x96xf32>
    %max3A_14 = arith.maximumf %add3A_12, %max3A_13 : vector<5000x96xf32>
    %add3A_15 = arith.addf %get3A_4, %max3A_14 : vector<5000x96xf32>
    %swap3A = arith.constant 0 : index
    %swap3A_16 = arith.constant 0 : index
    %swap3A_17 = vector.load %arg5[%swap3A, %swap3A_16] : memref<5000x96xf32, #tpu.memory_space<vmem>>, vector<5000x96xf32>
    tpu.vector_store %arg5[%swap3A, %swap3A_16], %add3A_15 {strides = array<i32>} : memref<5000x96xf32, #tpu.memory_space<vmem>>, vector<5000x96xf32>,
    return
  }
  func.func @transform_0(%arg0: i32) -> (i32, i32) {
    %c0_i32 = arith.constant 0 : i32
    %c0_i32_0 = arith.constant 0 : i32
    return %arg0, %c0_i32 : i32, i32
  }
  func.func @transform_1(%arg0: i32) -> (i32, i32) {
    %c0_i32 = arith.constant 0 : i32
    %c0_i32_0 = arith.constant 0 : i32
    return %arg0, %c0_i32 : i32, i32
  }
  func.func @transform_2(%arg0: i32) -> (i32, i32) {
    %c0_i32 = arith.constant 0 : i32
    %c0_i32_0 = arith.constant 0 : i32
    %c0_i32_1 = arith.constant 0 : i32
    return %c0_i32, %c0_i32_0 : i32, i32
  }
  func.func @transform_3(%arg0: i32) -> (i32, i32) {
    %c0_i32 = arith.constant 0 : i32
    %c0_i32_0 = arith.constant 0 : i32
    %c0_i32_1 = arith.constant 0 : i32
    return %c0_i32, %c0_i32_0 : i32, i32
  }
  func.func @transform_4(%arg0: i32) -> (i32, i32) {
    %c0_i32 = arith.constant 0 : i32
    %c0_i32_0 = arith.constant 0 : i32
    return %arg0, %c0_i32 : i32, i32
  }
}

module attributes {stable_mosaic.version = 14 : i64} {
  func.func @_gru_body(%arg0: i32, %arg1: memref<4000x96xf32, #tpu.memory_space<vmem>>, %arg2: memref<4000x128xf32, #tpu.memory_space<vmem>>, %arg3: memref<4000x128xf32, #tpu.memory_space<vmem>>, %arg4: memref<12x96x96xbf16, #tpu.memory_space<vmem>>, %arg5: memref<16x96xf32, #tpu.memory_space<vmem>>, %arg6: memref<4000x96xf32, #tpu.memory_space<vmem>>, %arg7: memref<8x96xf32, #tpu.memory_space<vmem>>) attributes {dimension_semantics = [#tpu.dimension_semantics<arbitrary>], iteration_bounds = array<i64: 200>, scalar_prefetch = 0 : i64, scratch_operands = 0 : i64, tpu.core_type = #tpu.core_type<tc>, window_params = [{transform_indices = @transform_0, window_bounds = array<i64: 4000, 96>}, {transform_indices = @transform_1, window_bounds = array<i64: 4000, 128>}, {transform_indices = @transform_2, window_bounds = array<i64: 4000, 128>}, {pipeline_mode = #tpu.pipeline_mode<synchronous>, transform_indices = @transform_3, window_bounds = array<i64: 12, 96, 96>}, {pipeline_mode = #tpu.pipeline_mode<synchronous>, transform_indices = @transform_4, window_bounds = array<i64: 16, 96>}, {transform_indices = @transform_5, window_bounds = array<i64: 4000, 96>}, {pipeline_mode = #tpu.pipeline_mode<synchronous>, transform_indices = @transform_6, window_bounds = array<i64: 8, 96>}]} {
    %get3A = arith.constant 0 : index
    %get3A_0 = arith.constant 0 : index
    %get3A_1 = vector.load %arg1[%get3A, %get3A_0] : memref<4000x96xf32, #tpu.memory_space<vmem>>, vector<4000x96xf32>
    %get3A_2 = arith.constant 0 : index
    %get3A_3 = arith.constant 0 : index
    %get3A_4 = vector.load %arg2[%get3A_2, %get3A_3] : memref<4000x128xf32, #tpu.memory_space<vmem>>, vector<4000x96xf32>
    %get3A_5 = arith.constant 0 : index
    %get3A_6 = arith.constant 0 : index
    %get3A_7 = vector.load %arg3[%get3A_5, %get3A_6] : memref<4000x128xf32, #tpu.memory_space<vmem>>, vector<4000x96xf32>
    %convert_element_type3A = arith.truncf %get3A_4 : vector<4000x96xf32> to vector<4000x96xbf16>
    %get3A_8 = arith.constant 0 : index
    %get3A_9 = arith.constant 0 : index
    %get3A_10 = arith.constant 0 : index
    %get3A_11 = vector.load %arg4[%get3A_8, %get3A_9, %get3A_10] : memref<12x96x96xbf16, #tpu.memory_space<vmem>>, vector<1x96x96xbf16>
    %get3A_12 = vector.shape_cast %get3A_11 : vector<1x96x96xbf16> to vector<96x96xbf16>
    %dot_general3A = arith.constant dense<0.000000e+00> : vector<4000x96xf32>
    %dot_general3A_13 = tpu.matmul %convert_element_type3A, %get3A_12, %dot_general3A {dimension_numbers = #tpu.dot_dimension_numbers<[1], [0], [0], [1], [0, 0, 1, 1], [], []>, transpose_lhs_hint = false} : vector<4000x96xbf16>, vector<96x96xbf16>, vector<4000x96xf32> -> vector<4000x96xf32>
    %get3A_14 = arith.constant 0 : index
    %get3A_15 = arith.constant 0 : index
    %get3A_16 = vector.load %arg5[%get3A_14, %get3A_15] : memref<16x96xf32, #tpu.memory_space<vmem>>, vector<1x96xf32>
    %add3A = vector.broadcast %get3A_16 : vector<1x96xf32> to vector<4000x96xf32>
    %add3A_17 = arith.addf %dot_general3A_13, %add3A : vector<4000x96xf32>
    %convert_element_type3A_18 = arith.truncf %get3A_1 : vector<4000x96xf32> to vector<4000x96xbf16>
    %get3A_19 = arith.constant 3 : index
    %get3A_20 = arith.constant 0 : index
    %get3A_21 = arith.constant 0 : index
    %get3A_22 = vector.load %arg4[%get3A_19, %get3A_20, %get3A_21] : memref<12x96x96xbf16, #tpu.memory_space<vmem>>, vector<1x96x96xbf16>
    %get3A_23 = vector.shape_cast %get3A_22 : vector<1x96x96xbf16> to vector<96x96xbf16>
    %dot_general3A_24 = arith.constant dense<0.000000e+00> : vector<4000x96xf32>
    %dot_general3A_25 = tpu.matmul %convert_element_type3A_18, %get3A_23, %dot_general3A_24 {dimension_numbers = #tpu.dot_dimension_numbers<[1], [0], [0], [1], [0, 0, 1, 1], [], []>, transpose_lhs_hint = false} : vector<4000x96xbf16>, vector<96x96xbf16>, vector<4000x96xf32> -> vector<4000x96xf32>
    %add3A_26 = arith.addf %add3A_17, %dot_general3A_25 : vector<4000x96xf32>
    %get3A_27 = arith.constant 3 : index
    %get3A_28 = arith.constant 0 : index
    %get3A_29 = vector.load %arg5[%get3A_27, %get3A_28] : memref<16x96xf32, #tpu.memory_space<vmem>>, vector<1x96xf32>
    %add3A_30 = vector.broadcast %get3A_29 : vector<1x96xf32> to vector<4000x96xf32>
    %add3A_31 = arith.addf %add3A_26, %add3A_30 : vector<4000x96xf32>
    %logistic3A = arith.negf %add3A_31 : vector<4000x96xf32>
    %logistic3A_32 = math.exp %logistic3A : vector<4000x96xf32>
    %logistic3A_33 = arith.constant 1.000000e+00 : f32
    %logistic3A_34 = vector.broadcast %logistic3A_33 : f32 to vector<4000x96xf32>
    %logistic3A_35 = arith.addf %logistic3A_34, %logistic3A_32 : vector<4000x96xf32>
    %logistic3A_36 = arith.divf %logistic3A_34, %logistic3A_35 : vector<4000x96xf32>
    %convert_element_type3A_37 = arith.truncf %get3A_4 : vector<4000x96xf32> to vector<4000x96xbf16>
    %get3A_38 = arith.constant 1 : index
    %get3A_39 = arith.constant 0 : index
    %get3A_40 = arith.constant 0 : index
    %get3A_41 = vector.load %arg4[%get3A_38, %get3A_39, %get3A_40] : memref<12x96x96xbf16, #tpu.memory_space<vmem>>, vector<1x96x96xbf16>
    %get3A_42 = vector.shape_cast %get3A_41 : vector<1x96x96xbf16> to vector<96x96xbf16>
    %dot_general3A_43 = arith.constant dense<0.000000e+00> : vector<4000x96xf32>
    %dot_general3A_44 = tpu.matmul %convert_element_type3A_37, %get3A_42, %dot_general3A_43 {dimension_numbers = #tpu.dot_dimension_numbers<[1], [0], [0], [1], [0, 0, 1, 1], [], []>, transpose_lhs_hint = false} : vector<4000x96xbf16>, vector<96x96xbf16>, vector<4000x96xf32> -> vector<4000x96xf32>
    %get3A_45 = arith.constant 1 : index
    %get3A_46 = arith.constant 0 : index
    %get3A_47 = vector.load %arg5[%get3A_45, %get3A_46] : memref<16x96xf32, #tpu.memory_space<vmem>>, vector<1x96xf32>
    %add3A_48 = vector.broadcast %get3A_47 : vector<1x96xf32> to vector<4000x96xf32>
    %add3A_49 = arith.addf %dot_general3A_44, %add3A_48 : vector<4000x96xf32>
    %convert_element_type3A_50 = arith.truncf %get3A_1 : vector<4000x96xf32> to vector<4000x96xbf16>
    %get3A_51 = arith.constant 4 : index
    %get3A_52 = arith.constant 0 : index
    %get3A_53 = arith.constant 0 : index
    %get3A_54 = vector.load %arg4[%get3A_51, %get3A_52, %get3A_53] : memref<12x96x96xbf16, #tpu.memory_space<vmem>>, vector<1x96x96xbf16>
    %get3A_55 = vector.shape_cast %get3A_54 : vector<1x96x96xbf16> to vector<96x96xbf16>
    %dot_general3A_56 = arith.constant dense<0.000000e+00> : vector<4000x96xf32>
    %dot_general3A_57 = tpu.matmul %convert_element_type3A_50, %get3A_55, %dot_general3A_56 {dimension_numbers = #tpu.dot_dimension_numbers<[1], [0], [0], [1], [0, 0, 1, 1], [], []>, transpose_lhs_hint = false} : vector<4000x96xbf16>, vector<96x96xbf16>, vector<4000x96xf32> -> vector<4000x96xf32>
    %add3A_58 = arith.addf %add3A_49, %dot_general3A_57 : vector<4000x96xf32>
    %get3A_59 = arith.constant 4 : index
    %get3A_60 = arith.constant 0 : index
    %get3A_61 = vector.load %arg5[%get3A_59, %get3A_60] : memref<16x96xf32, #tpu.memory_space<vmem>>, vector<1x96xf32>
    %add3A_62 = vector.broadcast %get3A_61 : vector<1x96xf32> to vector<4000x96xf32>
    %add3A_63 = arith.addf %add3A_58, %add3A_62 : vector<4000x96xf32>
    %logistic3A_64 = arith.negf %add3A_63 : vector<4000x96xf32>
    %logistic3A_65 = math.exp %logistic3A_64 : vector<4000x96xf32>
    %logistic3A_66 = arith.constant 1.000000e+00 : f32
    %logistic3A_67 = vector.broadcast %logistic3A_66 : f32 to vector<4000x96xf32>
    %logistic3A_68 = arith.addf %logistic3A_67, %logistic3A_65 : vector<4000x96xf32>
    %logistic3A_69 = arith.divf %logistic3A_67, %logistic3A_68 : vector<4000x96xf32>
    %convert_element_type3A_70 = arith.truncf %get3A_4 : vector<4000x96xf32> to vector<4000x96xbf16>
    %get3A_71 = arith.constant 2 : index
    %get3A_72 = arith.constant 0 : index
    %get3A_73 = arith.constant 0 : index
    %get3A_74 = vector.load %arg4[%get3A_71, %get3A_72, %get3A_73] : memref<12x96x96xbf16, #tpu.memory_space<vmem>>, vector<1x96x96xbf16>
    %get3A_75 = vector.shape_cast %get3A_74 : vector<1x96x96xbf16> to vector<96x96xbf16>
    %dot_general3A_76 = arith.constant dense<0.000000e+00> : vector<4000x96xf32>
    %dot_general3A_77 = tpu.matmul %convert_element_type3A_70, %get3A_75, %dot_general3A_76 {dimension_numbers = #tpu.dot_dimension_numbers<[1], [0], [0], [1], [0, 0, 1, 1], [], []>, transpose_lhs_hint = false} : vector<4000x96xbf16>, vector<96x96xbf16>, vector<4000x96xf32> -> vector<4000x96xf32>
    %get3A_78 = arith.constant 2 : index
    %get3A_79 = arith.constant 0 : index
    %get3A_80 = vector.load %arg5[%get3A_78, %get3A_79] : memref<16x96xf32, #tpu.memory_space<vmem>>, vector<1x96xf32>
    %add3A_81 = vector.broadcast %get3A_80 : vector<1x96xf32> to vector<4000x96xf32>
    %add3A_82 = arith.addf %dot_general3A_77, %add3A_81 : vector<4000x96xf32>
    %convert_element_type3A_83 = arith.truncf %get3A_1 : vector<4000x96xf32> to vector<4000x96xbf16>
    %get3A_84 = arith.constant 5 : index
    %get3A_85 = arith.constant 0 : index
    %get3A_86 = arith.constant 0 : index
    %get3A_87 = vector.load %arg4[%get3A_84, %get3A_85, %get3A_86] : memref<12x96x96xbf16, #tpu.memory_space<vmem>>, vector<1x96x96xbf16>
    %get3A_88 = vector.shape_cast %get3A_87 : vector<1x96x96xbf16> to vector<96x96xbf16>
    %dot_general3A_89 = arith.constant dense<0.000000e+00> : vector<4000x96xf32>
    %dot_general3A_90 = tpu.matmul %convert_element_type3A_83, %get3A_88, %dot_general3A_89 {dimension_numbers = #tpu.dot_dimension_numbers<[1], [0], [0], [1], [0, 0, 1, 1], [], []>, transpose_lhs_hint = false} : vector<4000x96xbf16>, vector<96x96xbf16>, vector<4000x96xf32> -> vector<4000x96xf32>
    %get3A_91 = arith.constant 5 : index
    %get3A_92 = arith.constant 0 : index
    %get3A_93 = vector.load %arg5[%get3A_91, %get3A_92] : memref<16x96xf32, #tpu.memory_space<vmem>>, vector<1x96xf32>
    %add3A_94 = vector.broadcast %get3A_93 : vector<1x96xf32> to vector<4000x96xf32>
    %add3A_95 = arith.addf %dot_general3A_90, %add3A_94 : vector<4000x96xf32>
    %mul3A = arith.mulf %logistic3A_36, %add3A_95 : vector<4000x96xf32>
    %add3A_96 = arith.addf %add3A_82, %mul3A : vector<4000x96xf32>
    %tanh3A = math.tanh %add3A_96 : vector<4000x96xf32>
    %sub3A = arith.constant 1.000000e+00 : f32
    %sub3A_97 = vector.broadcast %sub3A : f32 to vector<4000x96xf32>
    %sub3A_98 = arith.subf %sub3A_97, %logistic3A_69 : vector<4000x96xf32>
    %mul3A_99 = arith.mulf %sub3A_98, %tanh3A : vector<4000x96xf32>
    %mul3A_100 = arith.mulf %logistic3A_69, %get3A_1 : vector<4000x96xf32>
    %add3A_101 = arith.addf %mul3A_99, %mul3A_100 : vector<4000x96xf32>
    %convert_element_type3A_102 = arith.truncf %get3A_7 : vector<4000x96xf32> to vector<4000x96xbf16>
    %get3A_103 = arith.constant 6 : index
    %get3A_104 = arith.constant 0 : index
    %get3A_105 = arith.constant 0 : index
    %get3A_106 = vector.load %arg4[%get3A_103, %get3A_104, %get3A_105] : memref<12x96x96xbf16, #tpu.memory_space<vmem>>, vector<1x96x96xbf16>
    %get3A_107 = vector.shape_cast %get3A_106 : vector<1x96x96xbf16> to vector<96x96xbf16>
    %dot_general3A_108 = arith.constant dense<0.000000e+00> : vector<4000x96xf32>
    %dot_general3A_109 = tpu.matmul %convert_element_type3A_102, %get3A_107, %dot_general3A_108 {dimension_numbers = #tpu.dot_dimension_numbers<[1], [0], [0], [1], [0, 0, 1, 1], [], []>, transpose_lhs_hint = false} : vector<4000x96xbf16>, vector<96x96xbf16>, vector<4000x96xf32> -> vector<4000x96xf32>
    %get3A_110 = arith.constant 6 : index
    %get3A_111 = arith.constant 0 : index
    %get3A_112 = vector.load %arg5[%get3A_110, %get3A_111] : memref<16x96xf32, #tpu.memory_space<vmem>>, vector<1x96xf32>
    %add3A_113 = vector.broadcast %get3A_112 : vector<1x96xf32> to vector<4000x96xf32>
    %add3A_114 = arith.addf %dot_general3A_109, %add3A_113 : vector<4000x96xf32>
    %convert_element_type3A_115 = arith.truncf %add3A_101 : vector<4000x96xf32> to vector<4000x96xbf16>
    %get3A_116 = arith.constant 9 : index
    %get3A_117 = arith.constant 0 : index
    %get3A_118 = arith.constant 0 : index
    %get3A_119 = vector.load %arg4[%get3A_116, %get3A_117, %get3A_118] : memref<12x96x96xbf16, #tpu.memory_space<vmem>>, vector<1x96x96xbf16>
    %get3A_120 = vector.shape_cast %get3A_119 : vector<1x96x96xbf16> to vector<96x96xbf16>
    %dot_general3A_121 = arith.constant dense<0.000000e+00> : vector<4000x96xf32>
    %dot_general3A_122 = tpu.matmul %convert_element_type3A_115, %get3A_120, %dot_general3A_121 {dimension_numbers = #tpu.dot_dimension_numbers<[1], [0], [0], [1], [0, 0, 1, 1], [], []>, transpose_lhs_hint = false} : vector<4000x96xbf16>, vector<96x96xbf16>, vector<4000x96xf32> -> vector<4000x96xf32>
    %add3A_123 = arith.addf %add3A_114, %dot_general3A_122 : vector<4000x96xf32>
    %get3A_124 = arith.constant 9 : index
    %get3A_125 = arith.constant 0 : index
    %get3A_126 = vector.load %arg5[%get3A_124, %get3A_125] : memref<16x96xf32, #tpu.memory_space<vmem>>, vector<1x96xf32>
    %add3A_127 = vector.broadcast %get3A_126 : vector<1x96xf32> to vector<4000x96xf32>
    %add3A_128 = arith.addf %add3A_123, %add3A_127 : vector<4000x96xf32>
    %logistic3A_129 = arith.negf %add3A_128 : vector<4000x96xf32>
    %logistic3A_130 = math.exp %logistic3A_129 : vector<4000x96xf32>
    %logistic3A_131 = arith.constant 1.000000e+00 : f32
    %logistic3A_132 = vector.broadcast %logistic3A_131 : f32 to vector<4000x96xf32>
    %logistic3A_133 = arith.addf %logistic3A_132, %logistic3A_130 : vector<4000x96xf32>
    %logistic3A_134 = arith.divf %logistic3A_132, %logistic3A_133 : vector<4000x96xf32>
    %convert_element_type3A_135 = arith.truncf %get3A_7 : vector<4000x96xf32> to vector<4000x96xbf16>
    %get3A_136 = arith.constant 7 : index
    %get3A_137 = arith.constant 0 : index
    %get3A_138 = arith.constant 0 : index
    %get3A_139 = vector.load %arg4[%get3A_136, %get3A_137, %get3A_138] : memref<12x96x96xbf16, #tpu.memory_space<vmem>>, vector<1x96x96xbf16>
    %get3A_140 = vector.shape_cast %get3A_139 : vector<1x96x96xbf16> to vector<96x96xbf16>
    %dot_general3A_141 = arith.constant dense<0.000000e+00> : vector<4000x96xf32>
    %dot_general3A_142 = tpu.matmul %convert_element_type3A_135, %get3A_140, %dot_general3A_141 {dimension_numbers = #tpu.dot_dimension_numbers<[1], [0], [0], [1], [0, 0, 1, 1], [], []>, transpose_lhs_hint = false} : vector<4000x96xbf16>, vector<96x96xbf16>, vector<4000x96xf32> -> vector<4000x96xf32>
    %get3A_143 = arith.constant 7 : index
    %get3A_144 = arith.constant 0 : index
    %get3A_145 = vector.load %arg5[%get3A_143, %get3A_144] : memref<16x96xf32, #tpu.memory_space<vmem>>, vector<1x96xf32>
    %add3A_146 = vector.broadcast %get3A_145 : vector<1x96xf32> to vector<4000x96xf32>
    %add3A_147 = arith.addf %dot_general3A_142, %add3A_146 : vector<4000x96xf32>
    %convert_element_type3A_148 = arith.truncf %add3A_101 : vector<4000x96xf32> to vector<4000x96xbf16>
    %get3A_149 = arith.constant 10 : index
    %get3A_150 = arith.constant 0 : index
    %get3A_151 = arith.constant 0 : index
    %get3A_152 = vector.load %arg4[%get3A_149, %get3A_150, %get3A_151] : memref<12x96x96xbf16, #tpu.memory_space<vmem>>, vector<1x96x96xbf16>
    %get3A_153 = vector.shape_cast %get3A_152 : vector<1x96x96xbf16> to vector<96x96xbf16>
    %dot_general3A_154 = arith.constant dense<0.000000e+00> : vector<4000x96xf32>
    %dot_general3A_155 = tpu.matmul %convert_element_type3A_148, %get3A_153, %dot_general3A_154 {dimension_numbers = #tpu.dot_dimension_numbers<[1], [0], [0], [1], [0, 0, 1, 1], [], []>, transpose_lhs_hint = false} : vector<4000x96xbf16>, vector<96x96xbf16>, vector<4000x96xf32> -> vector<4000x96xf32>
    %add3A_156 = arith.addf %add3A_147, %dot_general3A_155 : vector<4000x96xf32>
    %get3A_157 = arith.constant 10 : index
    %get3A_158 = arith.constant 0 : index
    %get3A_159 = vector.load %arg5[%get3A_157, %get3A_158] : memref<16x96xf32, #tpu.memory_space<vmem>>, vector<1x96xf32>
    %add3A_160 = vector.broadcast %get3A_159 : vector<1x96xf32> to vector<4000x96xf32>
    %add3A_161 = arith.addf %add3A_156, %add3A_160 : vector<4000x96xf32>
    %logistic3A_162 = arith.negf %add3A_161 : vector<4000x96xf32>
    %logistic3A_163 = math.exp %logistic3A_162 : vector<4000x96xf32>
    %logistic3A_164 = arith.constant 1.000000e+00 : f32
    %logistic3A_165 = vector.broadcast %logistic3A_164 : f32 to vector<4000x96xf32>
    %logistic3A_166 = arith.addf %logistic3A_165, %logistic3A_163 : vector<4000x96xf32>
    %logistic3A_167 = arith.divf %logistic3A_165, %logistic3A_166 : vector<4000x96xf32>
    %convert_element_type3A_168 = arith.truncf %get3A_7 : vector<4000x96xf32> to vector<4000x96xbf16>
    %get3A_169 = arith.constant 8 : index
    %get3A_170 = arith.constant 0 : index
    %get3A_171 = arith.constant 0 : index
    %get3A_172 = vector.load %arg4[%get3A_169, %get3A_170, %get3A_171] : memref<12x96x96xbf16, #tpu.memory_space<vmem>>, vector<1x96x96xbf16>
    %get3A_173 = vector.shape_cast %get3A_172 : vector<1x96x96xbf16> to vector<96x96xbf16>
    %dot_general3A_174 = arith.constant dense<0.000000e+00> : vector<4000x96xf32>
    %dot_general3A_175 = tpu.matmul %convert_element_type3A_168, %get3A_173, %dot_general3A_174 {dimension_numbers = #tpu.dot_dimension_numbers<[1], [0], [0], [1], [0, 0, 1, 1], [], []>, transpose_lhs_hint = false} : vector<4000x96xbf16>, vector<96x96xbf16>, vector<4000x96xf32> -> vector<4000x96xf32>
    %get3A_176 = arith.constant 8 : index
    %get3A_177 = arith.constant 0 : index
    %get3A_178 = vector.load %arg5[%get3A_176, %get3A_177] : memref<16x96xf32, #tpu.memory_space<vmem>>, vector<1x96xf32>
    %add3A_179 = vector.broadcast %get3A_178 : vector<1x96xf32> to vector<4000x96xf32>
    %add3A_180 = arith.addf %dot_general3A_175, %add3A_179 : vector<4000x96xf32>
    %convert_element_type3A_181 = arith.truncf %add3A_101 : vector<4000x96xf32> to vector<4000x96xbf16>
    %get3A_182 = arith.constant 11 : index
    %get3A_183 = arith.constant 0 : index
    %get3A_184 = arith.constant 0 : index
    %get3A_185 = vector.load %arg4[%get3A_182, %get3A_183, %get3A_184] : memref<12x96x96xbf16, #tpu.memory_space<vmem>>, vector<1x96x96xbf16>
    %get3A_186 = vector.shape_cast %get3A_185 : vector<1x96x96xbf16> to vector<96x96xbf16>
    %dot_general3A_187 = arith.constant dense<0.000000e+00> : vector<4000x96xf32>
    %dot_general3A_188 = tpu.matmul %convert_element_type3A_181, %get3A_186, %dot_general3A_187 {dimension_numbers = #tpu.dot_dimension_numbers<[1], [0], [0], [1], [0, 0, 1, 1], [], []>, transpose_lhs_hint = false} : vector<4000x96xbf16>, vector<96x96xbf16>, vector<4000x96xf32> -> vector<4000x96xf32>
    %get3A_189 = arith.constant 11 : index
    %get3A_190 = arith.constant 0 : index
    %get3A_191 = vector.load %arg5[%get3A_189, %get3A_190] : memref<16x96xf32, #tpu.memory_space<vmem>>, vector<1x96xf32>
    %add3A_192 = vector.broadcast %get3A_191 : vector<1x96xf32> to vector<4000x96xf32>
    %add3A_193 = arith.addf %dot_general3A_188, %add3A_192 : vector<4000x96xf32>
    %mul3A_194 = arith.mulf %logistic3A_134, %add3A_193 : vector<4000x96xf32>
    %add3A_195 = arith.addf %add3A_180, %mul3A_194 : vector<4000x96xf32>
    %tanh3A_196 = math.tanh %add3A_195 : vector<4000x96xf32>
    %sub3A_197 = arith.constant 1.000000e+00 : f32
    %sub3A_198 = vector.broadcast %sub3A_197 : f32 to vector<4000x96xf32>
    %sub3A_199 = arith.subf %sub3A_198, %logistic3A_167 : vector<4000x96xf32>
    %mul3A_200 = arith.mulf %sub3A_199, %tanh3A_196 : vector<4000x96xf32>
    %mul3A_201 = arith.mulf %logistic3A_167, %add3A_101 : vector<4000x96xf32>
    %add3A_202 = arith.addf %mul3A_200, %mul3A_201 : vector<4000x96xf32>
    %swap3A = arith.constant 0 : index
    %swap3A_203 = arith.constant 0 : index
    %swap3A_204 = vector.load %arg6[%swap3A, %swap3A_203] : memref<4000x96xf32, #tpu.memory_space<vmem>>, vector<4000x96xf32>
    tpu.vector_store %arg6[%swap3A, %swap3A_203], %add3A_202 {strides = array<i32>} : memref<4000x96xf32, #tpu.memory_space<vmem>>, vector<4000x96xf32>,
    %eq3A = arith.constant 0 : i32
    %eq3A_205 = arith.cmpi eq, %arg0, %eq3A : i32
    %convert_element_type3A_206 = arith.extui %eq3A_205 : i1 to i32
    %cond3A = arith.constant 0 : i32
    %cond3A_207 = arith.cmpi ne, %convert_element_type3A_206, %cond3A : i32
    scf.if %cond3A_207 {
      %broadcast_in_dim3A_227 = arith.constant 0.000000e+00 : f32
      %broadcast_in_dim3A_228 = vector.broadcast %broadcast_in_dim3A_227 : f32 to vector<8x96xf32>
      %swap3A_229 = arith.constant 0 : index
      %swap3A_230 = arith.constant 0 : index
      %swap3A_231 = vector.load %arg7[%swap3A_229, %swap3A_230] : memref<8x96xf32, #tpu.memory_space<vmem>>, vector<8x96xf32>
      tpu.vector_store %arg7[%swap3A_229, %swap3A_230], %broadcast_in_dim3A_228 {strides = array<i32>} : memref<8x96xf32, #tpu.memory_space<vmem>>, vector<8x96xf32>,
    } else {
    }
    %get3A_208 = arith.constant 0 : index
    %get3A_209 = arith.constant 0 : index
    %get3A_210 = vector.load %arg7[%get3A_208, %get3A_209] : memref<8x96xf32, #tpu.memory_space<vmem>>, vector<1x96xf32>
    %reduce_sum3A = arith.constant dense<0.000000e+00> : vector<96xf32>
    %reduce_sum3A_211 = vector.multi_reduction <add>, %add3A_202, %reduce_sum3A [0] : vector<4000x96xf32> to vector<96xf32>
    %broadcast_in_dim3A = vector.shape_cast %reduce_sum3A_211 : vector<96xf32> to vector<1x96xf32>
    %add3A_212 = arith.addf %get3A_210, %broadcast_in_dim3A : vector<1x96xf32>
    %swap3A_213 = arith.constant 0 : index
    %swap3A_214 = arith.constant 0 : index
    %swap3A_215 = vector.load %arg7[%swap3A_213, %swap3A_214] : memref<8x96xf32, #tpu.memory_space<vmem>>, vector<1x96xf32>
    tpu.vector_store %arg7[%swap3A_213, %swap3A_214], %add3A_212 {strides = array<i32>} : memref<8x96xf32, #tpu.memory_space<vmem>>, vector<1x96xf32>,
    %get3A_216 = arith.constant 1 : index
    %get3A_217 = arith.constant 0 : index
    %get3A_218 = vector.load %arg7[%get3A_216, %get3A_217] : memref<8x96xf32, #tpu.memory_space<vmem>>, vector<1x96xf32>
    %mul3A_219 = arith.mulf %add3A_202, %add3A_202 : vector<4000x96xf32>
    %reduce_sum3A_220 = arith.constant dense<0.000000e+00> : vector<96xf32>
    %reduce_sum3A_221 = vector.multi_reduction <add>, %mul3A_219, %reduce_sum3A_220 [0] : vector<4000x96xf32> to vector<96xf32>
    %broadcast_in_dim3A_222 = vector.shape_cast %reduce_sum3A_221 : vector<96xf32> to vector<1x96xf32>
    %add3A_223 = arith.addf %get3A_218, %broadcast_in_dim3A_222 : vector<1x96xf32>
    %swap3A_224 = arith.constant 1 : index
    %swap3A_225 = arith.constant 0 : index
    %swap3A_226 = vector.load %arg7[%swap3A_224, %swap3A_225] : memref<8x96xf32, #tpu.memory_space<vmem>>, vector<1x96xf32>
    tpu.vector_store %arg7[%swap3A_224, %swap3A_225], %add3A_223 {strides = array<i32>} : memref<8x96xf32, #tpu.memory_space<vmem>>, vector<1x96xf32>,
    return
  }
  func.func @transform_0(%arg0: i32) -> (i32, i32) {
    %c0_i32 = arith.constant 0 : i32
    %c0_i32_0 = arith.constant 0 : i32
    return %arg0, %c0_i32 : i32, i32
  }
  func.func @transform_1(%arg0: i32) -> (i32, i32) {
    %c0_i32 = arith.constant 0 : i32
    %c0_i32_0 = arith.constant 0 : i32
    return %arg0, %c0_i32 : i32, i32
  }
  func.func @transform_2(%arg0: i32) -> (i32, i32) {
    %c0_i32 = arith.constant 0 : i32
    %c0_i32_0 = arith.constant 0 : i32
    return %arg0, %c0_i32 : i32, i32
  }
  func.func @transform_3(%arg0: i32) -> (i32, i32, i32) {
    %c0_i32 = arith.constant 0 : i32
    %c0_i32_0 = arith.constant 0 : i32
    %c0_i32_1 = arith.constant 0 : i32
    %c0_i32_2 = arith.constant 0 : i32
    return %c0_i32, %c0_i32_0, %c0_i32_1 : i32, i32, i32
  }
  func.func @transform_4(%arg0: i32) -> (i32, i32) {
    %c0_i32 = arith.constant 0 : i32
    %c0_i32_0 = arith.constant 0 : i32
    %c0_i32_1 = arith.constant 0 : i32
    return %c0_i32, %c0_i32_0 : i32, i32
  }
  func.func @transform_5(%arg0: i32) -> (i32, i32) {
    %c0_i32 = arith.constant 0 : i32
    %c0_i32_0 = arith.constant 0 : i32
    return %arg0, %c0_i32 : i32, i32
  }
  func.func @transform_6(%arg0: i32) -> (i32, i32) {
    %c0_i32 = arith.constant 0 : i32
    %c0_i32_0 = arith.constant 0 : i32
    %c0_i32_1 = arith.constant 0 : i32
    return %c0_i32, %c0_i32_0 : i32, i32
  }
}

module attributes {stable_mosaic.version = 14 : i64} {
  func.func @_apply_body(%arg0: i32, %arg1: memref<4000x96xf32, #tpu.memory_space<vmem>>, %arg2: memref<4000x96xf32, #tpu.memory_space<vmem>>, %arg3: memref<1x96xf32, #tpu.memory_space<vmem>>, %arg4: memref<1x96xf32, #tpu.memory_space<vmem>>, %arg5: memref<4000x96xf32, #tpu.memory_space<vmem>>) attributes {dimension_semantics = [#tpu.dimension_semantics<arbitrary>], iteration_bounds = array<i64: 200>, scalar_prefetch = 0 : i64, scratch_operands = 0 : i64, tpu.core_type = #tpu.core_type<tc>, window_params = [{transform_indices = @transform_0, window_bounds = array<i64: 4000, 96>}, {transform_indices = @transform_1, window_bounds = array<i64: 4000, 96>}, {pipeline_mode = #tpu.pipeline_mode<synchronous>, transform_indices = @transform_2, window_bounds = array<i64: 1, 96>}, {pipeline_mode = #tpu.pipeline_mode<synchronous>, transform_indices = @transform_3, window_bounds = array<i64: 1, 96>}, {transform_indices = @transform_4, window_bounds = array<i64: 4000, 96>}]} {
    %get3A = arith.constant 0 : index
    %get3A_0 = arith.constant 0 : index
    %get3A_1 = vector.load %arg1[%get3A, %get3A_0] : memref<4000x96xf32, #tpu.memory_space<vmem>>, vector<4000x96xf32>
    %get3A_2 = arith.constant 0 : index
    %get3A_3 = arith.constant 0 : index
    %get3A_4 = vector.load %arg2[%get3A_2, %get3A_3] : memref<4000x96xf32, #tpu.memory_space<vmem>>, vector<4000x96xf32>
    %get3A_5 = arith.constant 0 : index
    %get3A_6 = arith.constant 0 : index
    %get3A_7 = vector.load %arg3[%get3A_5, %get3A_6] : memref<1x96xf32, #tpu.memory_space<vmem>>, vector<1x96xf32>
    %mul3A = vector.broadcast %get3A_7 : vector<1x96xf32> to vector<4000x96xf32>
    %mul3A_8 = arith.mulf %get3A_1, %mul3A : vector<4000x96xf32>
    %get3A_9 = arith.constant 0 : index
    %get3A_10 = arith.constant 0 : index
    %get3A_11 = vector.load %arg4[%get3A_9, %get3A_10] : memref<1x96xf32, #tpu.memory_space<vmem>>, vector<1x96xf32>
    %add3A = vector.broadcast %get3A_11 : vector<1x96xf32> to vector<4000x96xf32>
    %add3A_12 = arith.addf %mul3A_8, %add3A : vector<4000x96xf32>
    %max3A = arith.constant 0.000000e+00 : f32
    %max3A_13 = vector.broadcast %max3A : f32 to vector<4000x96xf32>
    %max3A_14 = arith.maximumf %add3A_12, %max3A_13 : vector<4000x96xf32>
    %add3A_15 = arith.addf %get3A_4, %max3A_14 : vector<4000x96xf32>
    %swap3A = arith.constant 0 : index
    %swap3A_16 = arith.constant 0 : index
    %swap3A_17 = vector.load %arg5[%swap3A, %swap3A_16] : memref<4000x96xf32, #tpu.memory_space<vmem>>, vector<4000x96xf32>
    tpu.vector_store %arg5[%swap3A, %swap3A_16], %add3A_15 {strides = array<i32>} : memref<4000x96xf32, #tpu.memory_space<vmem>>, vector<4000x96xf32>,
    return
  }
  func.func @transform_0(%arg0: i32) -> (i32, i32) {
    %c0_i32 = arith.constant 0 : i32
    %c0_i32_0 = arith.constant 0 : i32
    return %arg0, %c0_i32 : i32, i32
  }
  func.func @transform_1(%arg0: i32) -> (i32, i32) {
    %c0_i32 = arith.constant 0 : i32
    %c0_i32_0 = arith.constant 0 : i32
    return %arg0, %c0_i32 : i32, i32
  }
  func.func @transform_2(%arg0: i32) -> (i32, i32) {
    %c0_i32 = arith.constant 0 : i32
    %c0_i32_0 = arith.constant 0 : i32
    %c0_i32_1 = arith.constant 0 : i32
    return %c0_i32, %c0_i32_0 : i32, i32
  }
  func.func @transform_3(%arg0: i32) -> (i32, i32) {
    %c0_i32 = arith.constant 0 : i32
    %c0_i32_0 = arith.constant 0 : i32
    %c0_i32_1 = arith.constant 0 : i32
    return %c0_i32, %c0_i32_0 : i32, i32
  }
  func.func @transform_4(%arg0: i32) -> (i32, i32) {
    %c0_i32 = arith.constant 0 : i32
    %c0_i32_0 = arith.constant 0 : i32
    return %arg0, %c0_i32 : i32, i32
  }
}

</mosaic_0001>

<sc_bundles>
// kernel: kernel.12.cloned.1.call-start
scs
__scs_entry_jumppad:
0x0: {  	(pc) =	sbr.rel $0x88, $3  }
0x1: {  	(tag) =	ssettag $0x0;
	lr =	simm.s32 $0x1  }
0x2: {  	[smem:$0x3F8E] =	sst lr;
	_ =	strace $0xD0000000  }
0x3: {  	_ = 	snop  }
0x4: {  	_ = 	snop  }
0x5: {  	_ = 	snop  }
0x6: {  	_ = 	snop  }
0x7: {  	_ = 	snop  }
__scs_overlays_trampoline_lowered:
0x8: {  	[smem:$0x3F9D] =	sst s0  }
0x9: {  	[smem:$0x3F9E] =	sst s1  }
0xa: {  	[smem:$0x3F9F] =	sst s2  }
0xb: {  	[smem:$0x3FA0] =	sst s3  }
0xc: {  	[smem:$0x3FA1] =	sst s4  }
0xd: {  	[smem:$0x3FA2] =	sst s5  }
0xe: {  	[smem:$0x3FA3] =	sst s6  }
0xf: {  	[smem:$0x3FA4] =	sst s7  }
0x10: {  	[smem:$0x3FA5] =	sst s8  }
0x11: {  	[smem:$0x3FA6] =	sst s9;
	s0 =	simm.s32 @!p0 $0x0  }
0x12: {  	s1 =	sld [smem:$0x3F8C];
	s0 =	simm.s32 @p0 $0x1  }
0x13: {  	[smem:$0x3FA7] =	sst s0;
	s0 =	simm.s32 @!p1 $0x0  }
0x14: {  	s2 =	sld [smem:$0x3F8B];
	s0 =	simm.s32 @p1 $0x1  }
0x15: {  	[smem:$0x3FA8] =	sst s0;
	s0 =	simm.s32 @!p2 $0x0  }
0x16: {  	s3 =	sld [smem:$0x3FDB];
	s0 =	simm.s32 @p2 $0x1  }
0x17: {  	s4 =	simm.s32 $0x1BF5;
	[smem:$0x3FAA] =	sst s0  }
0x18: {  	s0 =	sld [smem:$0x3F8D];
	_ =	swait.ge [sflag:s4], $0x0  }
0x19: {  	s7 =	sld [smem:$0x3F8E]  }
0x1a: {  	s8 =	sadd.s32 $0xFFFFE003, lr  }
0x1b: {  	s9 =	sadd.s32 $0xFFFFFEF7, lr;
	s5 =	simm.s32 $0xFFFFFFFF;
	p2 =	slt.u32 s8, $0xFFFFF086  }
0x1c: {  	p1 =	slt.u32 s9, $0xF7A;
	s5 =	simm.s32 @!p2 $0x0  }
0x1d: {  	s5 =	simm.s32 @p1 $0x1;
	p0 =	seq.s32 s7, s2  }
0x1e: {  	s7 =	smul.u32 @!p0 $0xF7A, s2;
	p2 =	seq.s32 @!p0 s5, $0x0  }
0x1f: {  	s9 =	smul.u32 $0xF7A, s1;
	s8 =	simm.s32 @!p0 $0x1BF5;
	p2 =	por !p2, p0  }
0x20: {  	[sflag:s8] =	ssyncset.s32 @!p0 $0xFFFFF086;
	s6 =	sadd.s32 @!p0 s3, s7;
	s7 =	simm.s32 @!p0 $0x108  }
0x21: {  	s3 =	sadd.s32 s3, s9;
	s6 =	sadd.s32 @!p0 $0x88, s6;
	s7 =	simm.s32 @p2 $0x1082  }
0x22: {  	[simem:s7], [sflag:s8] =	dma.local @!p0 [hbm:s6], $0xF7A  }
0x23: {  	s9 =	sor.u32 $0xD0000000, s2;
	s6 =	simm.s32 $0x108;
	_ =	swait.ge @!p0 [sflag:s8], $0x0  }
0x24: {  	s3 =	sadd.s32 $0x88, s3;
	s6 =	simm.s32 @!p1 $0x1082;
	[sflag:s4] =	ssyncset.s32 $0xFFFFF086  }
0x25: {  	[simem:s6], [sflag:s4] =	dma.local [hbm:s3], $0xF7A  }
0x26: {  	[smem:$0x3F8E] =	sst s1;
	(tag) =	ssettag s2;
	_ =	strace s9  }
0x27: {  	s1 =	sld [smem:$0x3F9E]  }
0x28: {  	s2 =	sld [smem:$0x3F9F]  }
0x29: {  	s4 =	sld [smem:$0x3FA1]  }
0x2a: {  	p0 =	seq.s32 s5, $0x0;
	s5 =	sld [smem:$0x3FA2]  }
0x2b: {  	s6 =	sld [smem:$0x3FA3]  }
0x2c: {  	s7 =	sld [smem:$0x3FA4]  }
0x2d: {  	s3 =	simm.s32 $0x108;
	s8 =	sld [smem:$0x3FA5]  }
0x2e: {  	s3 =	simm.s32 @!p0 $0x1082;
	s9 =	sld [smem:$0x3FA6]  }
0x2f: {  	lr =	sadd.s32 s0, s3;
	s0 =	sld [smem:$0x3F9D]  }
0x30: {  	s3 =	sld [smem:$0x3FA0]  }
0x31: {  	[smem:$0x3FA9] =	sst s10  }
0x32: {  	s10 =	sld [smem:$0x3FA7];
	_ =	sdelay $0x3  }
0x33: {  	p0 =	seq.s32 s10, $0x1;
	s10 =	sld [smem:$0x3FA9];
	_ =	sdelay $0x3  }
0x34: {  	[smem:$0x3FA9] =	sst s10  }
0x35: {  	s10 =	sld [smem:$0x3FA8];
	_ =	sdelay $0x3  }
0x36: {  	p1 =	seq.s32 s10, $0x1;
	s10 =	sld [smem:$0x3FA9];
	_ =	sdelay $0x3  }
0x37: {  	[smem:$0x3FA9] =	sst s10  }
0x38: {  	s10 =	sld [smem:$0x3FAA]  }
0x39: {  	_ = 	snop;
	(pc) =	sbr.ind lr, $3  }
0x3a: {  	_ = 	snop  }
0x3b: {  	_ = 	snop  }
0x3c: {  	p2 =	seq.s32 s10, $0x1;
	s10 =	sld [smem:$0x3FA9]  }
0x3d: {  	_ =	shalt  }
0x3e: {  	_ =	shalt  }
0x3f: {  	_ =	shalt  }
0x40: {  	_ =	shalt  }
0x41: {  	_ =	shalt  }
0x42: {  	_ =	shalt  }
0x43: {  	_ =	shalt  }
0x44: {  	_ =	shalt  }
0x45: {  	_ =	shalt  }
0x46: {  	_ =	shalt  }
0x47: {  	_ =	shalt  }
0x48: {  	_ =	shalt  }
0x49: {  	_ =	shalt  }
0x4a: {  	_ =	shalt  }
0x4b: {  	_ =	shalt  }
0x4c: {  	_ =	shalt  }
0x4d: {  	_ =	shalt  }
0x4e: {  	_ =	shalt  }
0x4f: {  	_ =	shalt  }
0x50: {  	_ =	shalt  }
0x51: {  	_ =	shalt  }
0x52: {  	_ =	shalt  }
0x53: {  	_ =	shalt  }
0x54: {  	_ =	shalt  }
0x55: {  	_ =	shalt  }
0x56: {  	_ =	shalt  }
0x57: {  	_ =	shalt  }
0x58: {  	_ =	shalt  }
0x59: {  	_ =	shalt  }
0x5a: {  	_ =	shalt  }
0x5b: {  	_ =	shalt  }
0x5c: {  	_ =	shalt  }
0x5d: {  	_ =	shalt  }
0x5e: {  	_ =	shalt  }
0x5f: {  	_ =	shalt  }
0x60: {  	_ =	shalt  }
0x61: {  	_ =	shalt  }
0x62: {  	_ =	shalt  }
0x63: {  	_ =	shalt  }
0x64: {  	_ =	shalt  }
0x65: {  	_ =	shalt  }
0x66: {  	_ =	shalt  }
0x67: {  	_ =	shalt  }
0x68: {  	_ =	shalt  }
0x69: {  	_ =	shalt  }
0x6a: {  	_ =	shalt  }
0x6b: {  	_ =	shalt  }
0x6c: {  	_ =	shalt  }
0x6d: {  	_ =	shalt  }
0x6e: {  	_ =	shalt  }
0x6f: {  	_ =	shalt  }
0x70: {  	_ =	shalt  }
0x71: {  	_ =	shalt  }
0x72: {  	_ =	shalt  }
0x73: {  	_ =	shalt  }
0x74: {  	_ =	shalt  }
0x75: {  	_ =	shalt  }
0x76: {  	_ =	shalt  }
0x77: {  	_ =	shalt  }
0x78: {  	_ =	shalt  }
0x79: {  	_ =	shalt  }
0x7a: {  	_ =	shalt  }
0x7b: {  	_ =	shalt  }
0x7c: {  	_ =	shalt  }
0x7d: {  	_ =	shalt  }
0x7e: {  	_ =	shalt  }
0x7f: {  	_ =	shalt  }
0x80: {  	_ =	shalt  }
0x81: {  	_ =	shalt  }
0x82: {  	_ =	shalt  }
0x83: {  	_ =	shalt  }
0x84: {  	_ =	shalt  }
0x85: {  	_ =	shalt  }
0x86: {  	_ =	shalt  }
0x87: {  	_ =	shalt  }
.Lfunc_end0:
.L_simem_size_0:
called_computation.2_lowered:
.L_overlay_start_0:
0x88: {  	s2 =	sld [smem:$0x3FD9]  }
0x89: {  	s3 =	sld [smem:$0x3FFE];
	_ =	sdelay $0x1  }
0x8a: {  	s1 =	srdreg.scid  }
0x8b: {  	s0 =	sand.u32 $0x1, s1  }
0x8c: {  	s14 =	sshll.u32 s0, $0xA;
	s2 =	sadd.s32 s3, s2  }
0x8d: {  	s2 =	sadd.s32 s2, s14  }
0x8e: {  	[smem:$0x3FB5] =	sst s2  }
0x8f: {  	_ = 	snop  }
0x90: {  	s2 =	sld [smem:$0x3FD0];
	_ =	sdelay $0x2  }
0x91: {  	s15 =	simm.s32 $0xA;
	s4 =	simm.s32 $0x10  }
0x92: {  	[smem:s4], [sflag:s15] =	dma.local [hbm:s2], $0x1  }
0x93: {  	_ =	swait.eq [sflag:s15], $0x1  }
0x94: {  	[sflag:s15] =	ssyncset.done $0x0  }
0x95: {  	[sflag:s15] =	ssyncadd.s32 $0xFFFFFFFF  }
0x96: {  	s16 =	sld [smem:$0x11];
	(tm) =	ssettm $0x1  }
0x97: {  	s17 =	sld [smem:$0x3FFB];
	_ =	sdelay $0x3  }
0x98: {  	_ =	strace s17  }
0x99: {  	s3 =	sld [smem:$0x3FFC];
	_ =	sdelay $0x3  }
0x9a: {  	_ =	strace s3  }
0x9b: {  	s3 =	sld [smem:$0x3FFD];
	_ =	sdelay $0x3  }
0x9c: {  	_ =	strace s3  }
0x9d: {  	_ =	strace $0x8FFFFFFF  }
0x9e: {  	s18 =	sld [smem:$0x3FDB];
	_ =	sdelay $0x1  }
0x9f: {  	s19 =	simm.s32 $_scs_section_size  }
0xa0: {  	s5 =	simm.s32 $_size__tile_overlayer_lowered;
	s6 =	simm.s32 $_tile_overlayer_lowered  }
0xa1: {  	s22 =	simm.s32 $0x1BFF;
	s21 =	sshll.u32 s6, $0x1;
	s3 =	sadd.s32 s19, s18  }
0xa2: {  	s7 =	simm.s32 $0x0;
	s20 =	sshll.u32 s5, $0x1;
	s5 =	sadd.s32 s21, s3  }
0xa3: {  	[timem:s7], [sflag:s22] =	dma.local [hbm:s5], s20  }
0xa4: {  	_ =	swait.ge [sflag:s22], s20  }
0xa5: {  	s4 =	ssub.s32 $0x0, s20;
	[sflag:s22] =	ssyncset.done $0x0  }
0xa6: {  	[sflag:s22] =	ssyncadd.s32 s4;
	_ =	sdelay $0x1  }
0xa7: {  	s23 =	simm.s32 $0x1B8B  }
0xa8: {  	_ =	swait.ge [sflag:s23], $0x1  }
0xa9: {  	[sflag:s23] =	ssyncset.done $0x0  }
0xaa: {  	s25 =	simm.s32 $0x1B8E;
	s24 =	sld [smem:$0x3FFE];
	[sflag:s23] =	ssyncadd.s32 $0xFFFFFFFF  }
0xab: {  	s26 =	simm.s32 $execute0_lowered;
	[smem:$0x3FD2] =	sst s25  }
0xac: {  	s5 =	sshll.u32 s26, $0x1;
	_ =	strace $0x8000004C;
	[dreg:$0x1] =	wrdreg $0xFFFFFFFF  }
0xad: {  	s28 =	simm.s32 $_size_execute0_lowered;
	s3 =	sadd.s32 s3, s5;
	[dreg:$0x0] =	wrdreg $0x0  }
0xae: {  	s5 =	sshll.u32 s28, $0x1;
	[dreg:$0x2] =	wrdreg s3  }
0xaf: {  	[dreg:$0x3] =	wrdreg s5  }
0xb0: {  	[dreg:$0x4] =	wrdreg $0xC0  }
0xb1: {  	_ =	task [dreg:s7], $0x5FFFF  }
0xb2: {  	[dreg:$0x1] =	wrdreg $0xFFFFFFFF  }
0xb3: {  	[dreg:$0x0] =	wrdreg $0x60  }
0xb4: {  	[dreg:$0x2] =	wrdreg s16  }
0xb5: {  	[dreg:$0x3] =	wrdreg s24  }
0xb6: {  	[dreg:$0x4] =	wrdreg $0x9  }
0xb7: {  	_ =	task.clear_ibuf [dreg:s7], $0x5FFFF;
	_ =	strace $0x9000004C  }
0xb8: {  	s29 =	simm.s32 $0x9;
	_ =	strace $0x8000004E  }
0xb9: {  	_ =	swait.ge [sflag:s29], $0x1  }
0xba: {  	[sflag:s29] =	ssyncadd.s32 $0xFFFFFFFF  }
0xbb: {  	_ =	strace $0x9000004E  }
0xbc: {  	_ =	sfence  }
0xbd: {  	s30 =	sld [smem:$0x0];
	_ =	sdelay $0x2  }
0xbe: {  	s31 =	sshll.u32 s1, $0xD;
	s1 =	sshrl.u32 s1, $0x2  }
0xbf: {  	s3 =	sand.u32 $0x4000, s31;
	s1 =	sadd.s32 s1, s30  }
0xc0: {  	s0 =	sor.u32 s3, s0;
	s1 =	sshll.u32 s1, $0x11  }
0xc1: {  	s0 =	sor.u32 s1, s0  }
0xc2: {  	s0 =	sadd.s32 $0x8F2B, s0  }
0xc3: {  	[sflag:s0] =	ssyncadd.remote.s32 $0x1  }
0xc4: {  	_ =	sfence.sel $0xFFFF  }
0xc5: {  	[dreg:$0x0] =	wrdreg $0xFFFFFFFF;
	(pc) =	sbr.abs _section_cstart, $3  }
0xc6: {  	[dreg:$0x1] =	wrdreg $0xFFFFFFFF  }
0xc7: {  	_ =	task.clear_ibuf [dreg:s7], $0x2FFFF;
	_ =	strace $0x9FFFFFFF  }
0xc8: {  	(tm) =	ssettm $0x7FFFFFFF  }
0xc9: {  	_ =	shalt  }
tec
execute0_lowered:
.L_overlay_start_1:
0x0: {  	(tag) =	ssettag $0x1  }
0x1: {  	s2 =	rddreg [dreg:$0x0]  }
0x2: {  	s4 =	rddreg [dreg:$0x1]  }
0x3: {  	s0 =	rddreg [dreg:$0x2];
	s5 =	srdreg.scid  }
0x4: {  	s1 =	stileid.u32;
	s3 =	simm.s32 $0x0;
	s10 =	simm.s32 $0x100  }
0x5: {  	s11 =	simm.s32 $0xC8;
	s12 =	simm.s32 $0x200;
	s13 =	simm.s32 $0x6600  }
0x6: {  	s14 =	simm.s32 $0x1;
	s15 =	simm.s32 $0x2;
	s6 =	smul.u32 $0xC350, s1  }
0x7: {  	s16 =	simm.s32 $0x0;
	s5 =	sand.u32 $0x1, s5;
	s8 =	smul.u32 $0xC3500, s1  }
0x8: {  	[smem:$0x7FF] =	sst s3;
	s7 =	smul.u32 $0x61A8, s5;
	s9 =	ssub.s32 $0x2, s5  }
0x9: {  	_ =	strace $0x8000004D;
	s5 =	smul.u32 $0x61A80, s5;
	s29 =	sshrl.u32 s9, $0x1  }
0xa: {  	s8 =	sadd.s32 s8, s4;
	s6 =	sadd.s32 s7, s6;
	s7 =	ssub.s32 s9, s29  }
0xb: {  	s31 =	sadd.s32 s5, s8;
	s9 =	simm.s32 $0x3;
	s6 =	sshrl.u32 s6, $0x3  }
0xc: {  	s5 =	sadd.s32 $0xF6200, s31;
	s30 =	sadd.s32 s6, s4;
	s4 =	smax.u32 s7, $0x1  }
0xd: {  	s6 =	sadd.s32 $0x1A23800, s31;
	s7 =	sadd.s32 $0xDDA00, s30;
	s8 =	sadd.s32 $0xC5200, s30  }
.LBB2_1:
0xe: {  	s17 =	sadd.s32 $0x0, s8  }
0xf: {  	[tilespmem:s3], [sflag:$0x3] =	stream.linear.gather [hbm4b:s17+s3], $0xC8, $0x38;
	[tilespmem:$0xCA00] =	vst v63  }
0x10: {  	_ =	swait.ge [sflag:s9], $0xC8  }
0x11: {  	[sflag:s9] =	ssyncset.done $0x0  }
0x12: {  	s31 =	sadd.s32 $0x0, s7;
	[sflag:s9] =	ssyncadd.s32 $0xFFFFFF38  }
0x13: {  	[tilespmem:s10], [sflag:$0x3] =	stream.linear.gather [hbm4b:s31+s3], $0xC8, $0x38;
	[tilespmem:$0xCA00] =	vst v63  }
0x14: {  	_ =	swait.ge [sflag:s9], $0xC8  }
0x15: {  	[sflag:s9] =	ssyncset.done $0x0  }
0x16: {  	[sflag:s9] =	ssyncadd.s32 $0xFFFFFF38  }
0x17: {  	[tilespmem:s12], [sflag:$0x1] =	stream.indirect.gather [hbm4b:s2+s11], $0x80, s3, s11, $0xb8;
	[tilespmem:$0xCA00] =	vst v63  }
0x18: {  	_ = 	snop  }
0x19: {  	[tilespmem:s13], [sflag:$0x2] =	stream.indirect.gather [hbm4b:s2+s11], $0x80, s10, s11, $0xb8;
	[tilespmem:$0xCA00] =	vst v63  }
0x1a: {  	_ =	swait.ge [sflag:s14], $0x6400  }
0x1b: {  	[sflag:s14] =	ssyncset.done $0x0  }
0x1c: {  	[sflag:s14] =	ssyncadd.s32 $0xFFFF9C00  }
0x1d: {  	[hbm4b:s5+s3] =	stream.linear.scatter [tilespmem:s12], [sflag:$0x3], $0x6400, $0x38;
	[tilespmem:$0xCA00] =	vst v63  }
0x1e: {  	_ =	swait.ge [sflag:s9], $0x6400  }
0x1f: {  	[sflag:s9] =	ssyncset.done $0x0  }
0x20: {  	[sflag:s9] =	ssyncadd.s32 $0xFFFF9C00  }
0x21: {  	_ =	swait.ge [sflag:s15], $0x6400  }
0x22: {  	[sflag:s15] =	ssyncset.done $0x0  }
0x23: {  	[sflag:s15] =	ssyncadd.s32 $0xFFFF9C00  }
0x24: {  	[hbm4b:s6+s3] =	stream.linear.scatter [tilespmem:s13], [sflag:$0x3], $0x6400, $0x38;
	[tilespmem:$0xCA00] =	vst v63  }
0x25: {  	s19 =	simm.s32 $0x19;
	s20 =	simm.s32 $0x32;
	_ =	swait.ge [sflag:s9], $0x6400  }
0x26: {  	s18 =	sadd.s32 $0xC80, s5;
	s17 =	sadd.s32 $0xC80, s6;
	[sflag:s9] =	ssyncset.done $0x0  }
.LBB2_2:
0x27: {  	s21 =	sadd.s32 s19, s8  }
0x28: {  	[sflag:s9] =	ssyncadd.s32 $0xFFFF9C00;
	s22 =	smov.u32 s20;
	s23 =	sadd.s32 $0x19, s20  }
0x29: {  	[tilespmem:s3], [sflag:$0x3] =	stream.linear.gather [hbm4b:s21+s3], $0xC8, $0x38;
	[tilespmem:$0xCA00] =	vst v63  }
0x2a: {  	p0 =	sne.s32 s20, $0xC1C;
	_ =	swait.ge [sflag:s9], $0xC8  }
0x2b: {  	[sflag:s9] =	ssyncset.done $0x0  }
0x2c: {  	s20 =	sadd.s32 s19, s7;
	s19 =	smov.u32 s22;
	[sflag:s9] =	ssyncadd.s32 $0xFFFFFF38  }
0x2d: {  	[tilespmem:s10], [sflag:$0x3] =	stream.linear.gather [hbm4b:s20+s3], $0xC8, $0x38;
	[tilespmem:$0xCA00] =	vst v63  }
0x2e: {  	_ =	swait.ge [sflag:s9], $0xC8  }
0x2f: {  	[sflag:s9] =	ssyncset.done $0x0  }
0x30: {  	[sflag:s9] =	ssyncadd.s32 $0xFFFFFF38  }
0x31: {  	[tilespmem:s12], [sflag:$0x1] =	stream.indirect.gather [hbm4b:s2+s11], $0x80, s3, s11, $0xb8;
	[tilespmem:$0xCA00] =	vst v63  }
0x32: {  	_ = 	snop  }
0x33: {  	[tilespmem:s13], [sflag:$0x2] =	stream.indirect.gather [hbm4b:s2+s11], $0x80, s10, s11, $0xb8;
	[tilespmem:$0xCA00] =	vst v63  }
0x34: {  	_ =	swait.ge [sflag:s14], $0x6400  }
0x35: {  	[sflag:s14] =	ssyncset.done $0x0  }
0x36: {  	[sflag:s14] =	ssyncadd.s32 $0xFFFF9C00  }
0x37: {  	[hbm4b:s18+s3] =	stream.linear.scatter [tilespmem:s12], [sflag:$0x3], $0x6400, $0x38;
	[tilespmem:$0xCA00] =	vst v63  }
0x38: {  	_ =	swait.ge [sflag:s9], $0x6400  }
0x39: {  	[sflag:s9] =	ssyncset.done $0x0  }
0x3a: {  	[sflag:s9] =	ssyncadd.s32 $0xFFFF9C00  }
0x3b: {  	_ =	swait.ge [sflag:s15], $0x6400  }
.Ltmp0:
0x3c: {  	[sflag:s15] =	ssyncset.done $0x0;
	(pc) =	sbr.rel @p0 .LBB2_2-.Ltmp0, $4  }
0x3d: {  	[sflag:s15] =	ssyncadd.s32 $0xFFFF9C00  }
0x3e: {  	[hbm4b:s17+s3] =	stream.linear.scatter [tilespmem:s13], [sflag:$0x3], $0x6400, $0x38;
	[tilespmem:$0xCA00] =	vst v63  }
0x3f: {  	s20 =	smov.u32 s23;
	_ =	swait.ge [sflag:s9], $0x6400  }
0x40: {  	s18 =	sadd.s32 $0xC80, s18;
	s17 =	sadd.s32 $0xC80, s17;
	[sflag:s9] =	ssyncset.done $0x0  }
0x41: {  	s20 =	sadd.s32 s19, s8;
	[sflag:s9] =	ssyncadd.s32 $0xFFFF9C00  }
0x42: {  	[tilespmem:s3], [sflag:$0x3] =	stream.linear.gather [hbm4b:s20+s3], $0xC8, $0x38;
	[tilespmem:$0xCA00] =	vst v63  }
0x43: {  	_ =	swait.ge [sflag:s9], $0xC8  }
0x44: {  	[sflag:s9] =	ssyncset.done $0x0  }
0x45: {  	s31 =	sadd.s32 s19, s7;
	[sflag:s9] =	ssyncadd.s32 $0xFFFFFF38  }
0x46: {  	[tilespmem:s10], [sflag:$0x3] =	stream.linear.gather [hbm4b:s31+s3], $0xC8, $0x38;
	[tilespmem:$0xCA00] =	vst v63  }
0x47: {  	_ =	swait.ge [sflag:s9], $0xC8  }
0x48: {  	[sflag:s9] =	ssyncset.done $0x0  }
0x49: {  	[sflag:s9] =	ssyncadd.s32 $0xFFFFFF38  }
0x4a: {  	[tilespmem:s12], [sflag:$0x1] =	stream.indirect.gather [hbm4b:s2+s11], $0x80, s3, s11, $0xb8;
	[tilespmem:$0xCA00] =	vst v63  }
0x4b: {  	_ = 	snop  }
0x4c: {  	[tilespmem:s13], [sflag:$0x2] =	stream.indirect.gather [hbm4b:s2+s11], $0x80, s10, s11, $0xb8;
	[tilespmem:$0xCA00] =	vst v63  }
0x4d: {  	_ =	swait.ge [sflag:s14], $0x6400  }
0x4e: {  	[sflag:s14] =	ssyncset.done $0x0  }
0x4f: {  	[sflag:s14] =	ssyncadd.s32 $0xFFFF9C00  }
0x50: {  	[hbm4b:s18+s3] =	stream.linear.scatter [tilespmem:s12], [sflag:$0x3], $0x6400, $0x38;
	[tilespmem:$0xCA00] =	vst v63  }
0x51: {  	_ =	swait.ge [sflag:s9], $0x6400  }
0x52: {  	[sflag:s9] =	ssyncset.done $0x0  }
0x53: {  	[sflag:s9] =	ssyncadd.s32 $0xFFFF9C00  }
0x54: {  	s16 =	sadd.s32 $0x1, s16;
	_ =	swait.ge [sflag:s15], $0x6400  }
0x55: {  	p0 =	sne.s32 s16, s4;
	[sflag:s15] =	ssyncset.done $0x0  }
.Ltmp1:
0x56: {  	[sflag:s15] =	ssyncadd.s32 $0xFFFF9C00;
	(pc) =	sbr.rel @p0 .LBB2_1-.Ltmp1, $4  }
0x57: {  	[hbm4b:s17+s3] =	stream.linear.scatter [tilespmem:s13], [sflag:$0x3], $0x6400, $0x38;
	[tilespmem:$0xCA00] =	vst v63  }
0x58: {  	_ =	swait.ge [sflag:s9], $0x6400  }
0x59: {  	[sflag:s9] =	ssyncset.done $0x0  }
0x5a: {  	[sflag:s9] =	ssyncadd.s32 $0xFFFF9C00  }
0x5b: {  	_ =	sfence.sel $0x180000  }
0x5c: {  	[bflag:$0x0] =	sbarrier.arrive $0xFFFF  }
0x5d: {  	p0 =	sne.s32 s1, $0x0;
	_ =	strace $0x9000004D  }
0x5e: {  	s0 =	sadd.s32 @!p0 $0x100000, s0;
	[bflag:$0x2] =	sbarrier.arrive $0xFFFF  }
0x5f: {  	[sflag:s0] =	ssyncadd.tile.s32 @!p0 $0x1;
	_ =	shalt  }
.Lfunc_end2:
_tile_overlayer_lowered:
.L_overlay_start_2:
0x60: {  	(tag) =	ssettag $0x2  }
0x61: {  	s0 =	rddreg [dreg:$0x0];
	s2 =	stileid.u32  }
0x62: {  	s1 =	rddreg [dreg:$0x1];
	p0 =	sne.s32 s2, $0x0  }
0x63: {  	s3 =	rddreg [dreg:$0x2];
	[bflag:$0x3] =	sbarrier.arrive $0xFFFF;
	s2 =	simm.s32 @!p0 $0x1C03  }
0x64: {  	[timem:s3], [sflag:s2] =	dma.local @!p0 [hbm:s0], s1  }
0x65: {  	s0 =	simm.s32 @!p0 $0x3  }
0x66: {  	_ =	swait.ge @!p0 [sflag:s0], s1  }
0x67: {  	s1 =	ssub.s32 @!p0 $0x0, s1;
	[sflag:s0] =	ssyncset.done @!p0 $0x0  }
0x68: {  	[sflag:s0] =	ssyncadd.s32 @!p0 s1  }
0x69: {  	[bflag:$0x3] =	sbarrier.arrive $0xFFFF  }
0x6a: {  	_ =	shalt  }

// kernel: kernel.9.cloned.1.call-start
scs
__scs_entry_jumppad:
0x0: {  	(pc) =	sbr.rel $0x88, $3  }
0x1: {  	(tag) =	ssettag $0x0;
	lr =	simm.s32 $0x1  }
0x2: {  	[smem:$0x3F8E] =	sst lr;
	_ =	strace $0xD0000000  }
0x3: {  	_ = 	snop  }
0x4: {  	_ = 	snop  }
0x5: {  	_ = 	snop  }
0x6: {  	_ = 	snop  }
0x7: {  	_ = 	snop  }
__scs_overlays_trampoline_lowered:
0x8: {  	[smem:$0x3F9D] =	sst s0  }
0x9: {  	[smem:$0x3F9E] =	sst s1  }
0xa: {  	[smem:$0x3F9F] =	sst s2  }
0xb: {  	[smem:$0x3FA0] =	sst s3  }
0xc: {  	[smem:$0x3FA1] =	sst s4  }
0xd: {  	[smem:$0x3FA2] =	sst s5  }
0xe: {  	[smem:$0x3FA3] =	sst s6  }
0xf: {  	[smem:$0x3FA4] =	sst s7  }
0x10: {  	[smem:$0x3FA5] =	sst s8  }
0x11: {  	[smem:$0x3FA6] =	sst s9;
	s0 =	simm.s32 @!p0 $0x0  }
0x12: {  	s1 =	sld [smem:$0x3F8C];
	s0 =	simm.s32 @p0 $0x1  }
0x13: {  	[smem:$0x3FA7] =	sst s0;
	s0 =	simm.s32 @!p1 $0x0  }
0x14: {  	s2 =	sld [smem:$0x3F8B];
	s0 =	simm.s32 @p1 $0x1  }
0x15: {  	[smem:$0x3FA8] =	sst s0;
	s0 =	simm.s32 @!p2 $0x0  }
0x16: {  	s3 =	sld [smem:$0x3FDB];
	s0 =	simm.s32 @p2 $0x1  }
0x17: {  	s4 =	simm.s32 $0x1BF5;
	[smem:$0x3FAA] =	sst s0  }
0x18: {  	s0 =	sld [smem:$0x3F8D];
	_ =	swait.ge [sflag:s4], $0x0  }
0x19: {  	s7 =	sld [smem:$0x3F8E]  }
0x1a: {  	s8 =	sadd.s32 $0xFFFFE003, lr  }
0x1b: {  	s9 =	sadd.s32 $0xFFFFFEF7, lr;
	s5 =	simm.s32 $0xFFFFFFFF;
	p2 =	slt.u32 s8, $0xFFFFF086  }
0x1c: {  	p1 =	slt.u32 s9, $0xF7A;
	s5 =	simm.s32 @!p2 $0x0  }
0x1d: {  	s5 =	simm.s32 @p1 $0x1;
	p0 =	seq.s32 s7, s2  }
0x1e: {  	s7 =	smul.u32 @!p0 $0xF7A, s2;
	p2 =	seq.s32 @!p0 s5, $0x0  }
0x1f: {  	s9 =	smul.u32 $0xF7A, s1;
	s8 =	simm.s32 @!p0 $0x1BF5;
	p2 =	por !p2, p0  }
0x20: {  	[sflag:s8] =	ssyncset.s32 @!p0 $0xFFFFF086;
	s6 =	sadd.s32 @!p0 s3, s7;
	s7 =	simm.s32 @!p0 $0x108  }
0x21: {  	s3 =	sadd.s32 s3, s9;
	s6 =	sadd.s32 @!p0 $0x88, s6;
	s7 =	simm.s32 @p2 $0x1082  }
0x22: {  	[simem:s7], [sflag:s8] =	dma.local @!p0 [hbm:s6], $0xF7A  }
0x23: {  	s9 =	sor.u32 $0xD0000000, s2;
	s6 =	simm.s32 $0x108;
	_ =	swait.ge @!p0 [sflag:s8], $0x0  }
0x24: {  	s3 =	sadd.s32 $0x88, s3;
	s6 =	simm.s32 @!p1 $0x1082;
	[sflag:s4] =	ssyncset.s32 $0xFFFFF086  }
0x25: {  	[simem:s6], [sflag:s4] =	dma.local [hbm:s3], $0xF7A  }
0x26: {  	[smem:$0x3F8E] =	sst s1;
	(tag) =	ssettag s2;
	_ =	strace s9  }
0x27: {  	s1 =	sld [smem:$0x3F9E]  }
0x28: {  	s2 =	sld [smem:$0x3F9F]  }
0x29: {  	s4 =	sld [smem:$0x3FA1]  }
0x2a: {  	p0 =	seq.s32 s5, $0x0;
	s5 =	sld [smem:$0x3FA2]  }
0x2b: {  	s6 =	sld [smem:$0x3FA3]  }
0x2c: {  	s7 =	sld [smem:$0x3FA4]  }
0x2d: {  	s3 =	simm.s32 $0x108;
	s8 =	sld [smem:$0x3FA5]  }
0x2e: {  	s3 =	simm.s32 @!p0 $0x1082;
	s9 =	sld [smem:$0x3FA6]  }
0x2f: {  	lr =	sadd.s32 s0, s3;
	s0 =	sld [smem:$0x3F9D]  }
0x30: {  	s3 =	sld [smem:$0x3FA0]  }
0x31: {  	[smem:$0x3FA9] =	sst s10  }
0x32: {  	s10 =	sld [smem:$0x3FA7];
	_ =	sdelay $0x3  }
0x33: {  	p0 =	seq.s32 s10, $0x1;
	s10 =	sld [smem:$0x3FA9];
	_ =	sdelay $0x3  }
0x34: {  	[smem:$0x3FA9] =	sst s10  }
0x35: {  	s10 =	sld [smem:$0x3FA8];
	_ =	sdelay $0x3  }
0x36: {  	p1 =	seq.s32 s10, $0x1;
	s10 =	sld [smem:$0x3FA9];
	_ =	sdelay $0x3  }
0x37: {  	[smem:$0x3FA9] =	sst s10  }
0x38: {  	s10 =	sld [smem:$0x3FAA]  }
0x39: {  	_ = 	snop;
	(pc) =	sbr.ind lr, $3  }
0x3a: {  	_ = 	snop  }
0x3b: {  	_ = 	snop  }
0x3c: {  	p2 =	seq.s32 s10, $0x1;
	s10 =	sld [smem:$0x3FA9]  }
0x3d: {  	_ =	shalt  }
0x3e: {  	_ =	shalt  }
0x3f: {  	_ =	shalt  }
0x40: {  	_ =	shalt  }
0x41: {  	_ =	shalt  }
0x42: {  	_ =	shalt  }
0x43: {  	_ =	shalt  }
0x44: {  	_ =	shalt  }
0x45: {  	_ =	shalt  }
0x46: {  	_ =	shalt  }
0x47: {  	_ =	shalt  }
0x48: {  	_ =	shalt  }
0x49: {  	_ =	shalt  }
0x4a: {  	_ =	shalt  }
0x4b: {  	_ =	shalt  }
0x4c: {  	_ =	shalt  }
0x4d: {  	_ =	shalt  }
0x4e: {  	_ =	shalt  }
0x4f: {  	_ =	shalt  }
0x50: {  	_ =	shalt  }
0x51: {  	_ =	shalt  }
0x52: {  	_ =	shalt  }
0x53: {  	_ =	shalt  }
0x54: {  	_ =	shalt  }
0x55: {  	_ =	shalt  }
0x56: {  	_ =	shalt  }
0x57: {  	_ =	shalt  }
0x58: {  	_ =	shalt  }
0x59: {  	_ =	shalt  }
0x5a: {  	_ =	shalt  }
0x5b: {  	_ =	shalt  }
0x5c: {  	_ =	shalt  }
0x5d: {  	_ =	shalt  }
0x5e: {  	_ =	shalt  }
0x5f: {  	_ =	shalt  }
0x60: {  	_ =	shalt  }
0x61: {  	_ =	shalt  }
0x62: {  	_ =	shalt  }
0x63: {  	_ =	shalt  }
0x64: {  	_ =	shalt  }
0x65: {  	_ =	shalt  }
0x66: {  	_ =	shalt  }
0x67: {  	_ =	shalt  }
0x68: {  	_ =	shalt  }
0x69: {  	_ =	shalt  }
0x6a: {  	_ =	shalt  }
0x6b: {  	_ =	shalt  }
0x6c: {  	_ =	shalt  }
0x6d: {  	_ =	shalt  }
0x6e: {  	_ =	shalt  }
0x6f: {  	_ =	shalt  }
0x70: {  	_ =	shalt  }
0x71: {  	_ =	shalt  }
0x72: {  	_ =	shalt  }
0x73: {  	_ =	shalt  }
0x74: {  	_ =	shalt  }
0x75: {  	_ =	shalt  }
0x76: {  	_ =	shalt  }
0x77: {  	_ =	shalt  }
0x78: {  	_ =	shalt  }
0x79: {  	_ =	shalt  }
0x7a: {  	_ =	shalt  }
0x7b: {  	_ =	shalt  }
0x7c: {  	_ =	shalt  }
0x7d: {  	_ =	shalt  }
0x7e: {  	_ =	shalt  }
0x7f: {  	_ =	shalt  }
0x80: {  	_ =	shalt  }
0x81: {  	_ =	shalt  }
0x82: {  	_ =	shalt  }
0x83: {  	_ =	shalt  }
0x84: {  	_ =	shalt  }
0x85: {  	_ =	shalt  }
0x86: {  	_ =	shalt  }
0x87: {  	_ =	shalt  }
.Lfunc_end0:
.L_simem_size_0:
called_computation.1_lowered:
.L_overlay_start_0:
0x88: {  	s2 =	sld [smem:$0x3FD9]  }
0x89: {  	s3 =	sld [smem:$0x3FFE];
	_ =	sdelay $0x1  }
0x8a: {  	s1 =	srdreg.scid  }
0x8b: {  	s0 =	sand.u32 $0x1, s1  }
0x8c: {  	s14 =	sshll.u32 s0, $0xA;
	s2 =	sadd.s32 s3, s2  }
0x8d: {  	s2 =	sadd.s32 s2, s14  }
0x8e: {  	[smem:$0x3FB5] =	sst s2  }
0x8f: {  	_ = 	snop  }
0x90: {  	s2 =	sld [smem:$0x3FD0];
	_ =	sdelay $0x2  }
0x91: {  	s15 =	simm.s32 $0xA;
	s4 =	simm.s32 $0x10  }
0x92: {  	[smem:s4], [sflag:s15] =	dma.local [hbm:s2], $0x1  }
0x93: {  	_ =	swait.eq [sflag:s15], $0x1  }
0x94: {  	[sflag:s15] =	ssyncset.done $0x0  }
0x95: {  	[sflag:s15] =	ssyncadd.s32 $0xFFFFFFFF  }
0x96: {  	s16 =	sld [smem:$0x11];
	(tm) =	ssettm $0x1  }
0x97: {  	s17 =	sld [smem:$0x3FFB];
	_ =	sdelay $0x3  }
0x98: {  	_ =	strace s17  }
0x99: {  	s3 =	sld [smem:$0x3FFC];
	_ =	sdelay $0x3  }
0x9a: {  	_ =	strace s3  }
0x9b: {  	s3 =	sld [smem:$0x3FFD];
	_ =	sdelay $0x3  }
0x9c: {  	_ =	strace s3  }
0x9d: {  	_ =	strace $0x8FFFFFFF  }
0x9e: {  	s18 =	sld [smem:$0x3FDB];
	_ =	sdelay $0x1  }
0x9f: {  	s19 =	simm.s32 $_scs_section_size  }
0xa0: {  	s5 =	simm.s32 $_size__tile_overlayer_lowered;
	s6 =	simm.s32 $_tile_overlayer_lowered  }
0xa1: {  	s22 =	simm.s32 $0x1BFF;
	s21 =	sshll.u32 s6, $0x1;
	s3 =	sadd.s32 s19, s18  }
0xa2: {  	s7 =	simm.s32 $0x0;
	s20 =	sshll.u32 s5, $0x1;
	s5 =	sadd.s32 s21, s3  }
0xa3: {  	[timem:s7], [sflag:s22] =	dma.local [hbm:s5], s20  }
0xa4: {  	_ =	swait.ge [sflag:s22], s20  }
0xa5: {  	s4 =	ssub.s32 $0x0, s20;
	[sflag:s22] =	ssyncset.done $0x0  }
0xa6: {  	[sflag:s22] =	ssyncadd.s32 s4;
	_ =	sdelay $0x1  }
0xa7: {  	s23 =	simm.s32 $0x1B8B  }
0xa8: {  	_ =	swait.ge [sflag:s23], $0x1  }
0xa9: {  	[sflag:s23] =	ssyncset.done $0x0  }
0xaa: {  	s25 =	simm.s32 $0x1B8E;
	s24 =	sld [smem:$0x3FFE];
	[sflag:s23] =	ssyncadd.s32 $0xFFFFFFFF  }
0xab: {  	s26 =	simm.s32 $execute0_lowered;
	[smem:$0x3FD2] =	sst s25  }
0xac: {  	s5 =	sshll.u32 s26, $0x1;
	_ =	strace $0x80000046;
	[dreg:$0x1] =	wrdreg $0xFFFFFFFF  }
0xad: {  	s28 =	simm.s32 $_size_execute0_lowered;
	s3 =	sadd.s32 s3, s5;
	[dreg:$0x0] =	wrdreg $0x0  }
0xae: {  	s5 =	sshll.u32 s28, $0x1;
	[dreg:$0x2] =	wrdreg s3  }
0xaf: {  	[dreg:$0x3] =	wrdreg s5  }
0xb0: {  	[dreg:$0x4] =	wrdreg $0xC0  }
0xb1: {  	_ =	task [dreg:s7], $0x5FFFF  }
0xb2: {  	[dreg:$0x1] =	wrdreg $0xFFFFFFFF  }
0xb3: {  	[dreg:$0x0] =	wrdreg $0x60  }
0xb4: {  	[dreg:$0x2] =	wrdreg s16  }
0xb5: {  	[dreg:$0x3] =	wrdreg s24  }
0xb6: {  	[dreg:$0x4] =	wrdreg $0x9  }
0xb7: {  	_ =	task.clear_ibuf [dreg:s7], $0x5FFFF;
	_ =	strace $0x90000046  }
0xb8: {  	s29 =	simm.s32 $0x9;
	_ =	strace $0x80000048  }
0xb9: {  	_ =	swait.ge [sflag:s29], $0x1  }
0xba: {  	[sflag:s29] =	ssyncadd.s32 $0xFFFFFFFF  }
0xbb: {  	_ =	strace $0x90000048  }
0xbc: {  	_ =	sfence  }
0xbd: {  	s30 =	sld [smem:$0x0];
	_ =	sdelay $0x2  }
0xbe: {  	s31 =	sshll.u32 s1, $0xD;
	s1 =	sshrl.u32 s1, $0x2  }
0xbf: {  	s3 =	sand.u32 $0x4000, s31;
	s1 =	sadd.s32 s1, s30  }
0xc0: {  	s0 =	sor.u32 s3, s0;
	s1 =	sshll.u32 s1, $0x11  }
0xc1: {  	s0 =	sor.u32 s1, s0  }
0xc2: {  	s0 =	sadd.s32 $0x8F2B, s0  }
0xc3: {  	[sflag:s0] =	ssyncadd.remote.s32 $0x1  }
0xc4: {  	_ =	sfence.sel $0xFFFF  }
0xc5: {  	[dreg:$0x0] =	wrdreg $0xFFFFFFFF;
	(pc) =	sbr.abs _section_cstart, $3  }
0xc6: {  	[dreg:$0x1] =	wrdreg $0xFFFFFFFF  }
0xc7: {  	_ =	task.clear_ibuf [dreg:s7], $0x2FFFF;
	_ =	strace $0x9FFFFFFF  }
0xc8: {  	(tm) =	ssettm $0x7FFFFFFF  }
0xc9: {  	_ =	shalt  }
tec
execute0_lowered:
.L_overlay_start_1:
0x0: {  	(tag) =	ssettag $0x1  }
0x1: {  	s2 =	rddreg [dreg:$0x0];
	s1 =	srdreg.scid  }
0x2: {  	s0 =	stileid.u32;
	s4 =	rddreg [dreg:$0x1];
	s3 =	simm.s32 $0x0  }
0x3: {  	s10 =	simm.s32 $0x1;
	s11 =	simm.s32 $0x0;
	s6 =	smul.u32 $0xC350, s0  }
0x4: {  	s5 =	sand.u32 $0x1, s1;
	s1 =	rddreg [dreg:$0x2];
	s8 =	smul.u32 $0xC3500, s0  }
0x5: {  	[smem:$0x7FF] =	sst s3;
	s7 =	smul.u32 $0x61A8, s5;
	s9 =	ssub.s32 $0x2, s5  }
0x6: {  	_ =	strace $0x80000047;
	s5 =	smul.u32 $0x61A80, s5;
	s31 =	sshrl.u32 s9, $0x1  }
0x7: {  	s30 =	sadd.s32 s8, s4;
	s6 =	sadd.s32 s7, s6;
	s8 =	ssub.s32 s9, s31  }
0x8: {  	s5 =	sadd.s32 s5, s30;
	s7 =	simm.s32 $0x2;
	s6 =	sshrl.u32 s6, $0x3  }
0x9: {  	s9 =	simm.s32 $0x100;
	s5 =	sadd.s32 $0x1B9800, s5;
	s6 =	sadd.s32 s6, s4  }
0xa: {  	s4 =	smax.u32 s8, $0x1;
	s8 =	simm.s32 $0xC8;
	s6 =	sadd.s32 $0xC5200, s6  }
.LBB2_1:
0xb: {  	s12 =	sadd.s32 $0x0, s6  }
0xc: {  	[tilespmem:s3], [sflag:$0x2] =	stream.linear.gather [hbm4b:s12+s3], $0xC8, $0x38;
	[tilespmem:$0x6500] =	vst v63  }
0xd: {  	_ =	swait.ge [sflag:s7], $0xC8  }
0xe: {  	[sflag:s7] =	ssyncset.done $0x0  }
0xf: {  	[sflag:s7] =	ssyncadd.s32 $0xFFFFFF38  }
0x10: {  	[tilespmem:s9], [sflag:$0x1] =	stream.indirect.gather [hbm4b:s2+s8], $0x80, s3, s8, $0xb8;
	[tilespmem:$0x6500] =	vst v63  }
0x11: {  	_ =	swait.ge [sflag:s10], $0x6400  }
0x12: {  	[sflag:s10] =	ssyncset.done $0x0  }
0x13: {  	[sflag:s10] =	ssyncadd.s32 $0xFFFF9C00  }
0x14: {  	[hbm4b:s5+s3] =	stream.linear.scatter [tilespmem:s9], [sflag:$0x2], $0x6400, $0x38;
	[tilespmem:$0x6500] =	vst v63  }
0x15: {  	s13 =	simm.s32 $0x19;
	_ =	swait.ge [sflag:s7], $0x6400  }
0x16: {  	s14 =	simm.s32 $0x32;
	s12 =	sadd.s32 $0xC80, s5;
	[sflag:s7] =	ssyncset.done $0x0  }
.LBB2_2:
0x17: {  	s15 =	sadd.s32 s13, s6  }
0x18: {  	[sflag:s7] =	ssyncadd.s32 $0xFFFF9C00;
	s13 =	smov.u32 s14;
	s16 =	sadd.s32 $0x19, s14  }
0x19: {  	[tilespmem:s3], [sflag:$0x2] =	stream.linear.gather [hbm4b:s15+s3], $0xC8, $0x38;
	[tilespmem:$0x6500] =	vst v63  }
0x1a: {  	p0 =	sne.s32 s14, $0xC1C;
	_ =	swait.ge [sflag:s7], $0xC8  }
0x1b: {  	[sflag:s7] =	ssyncset.done $0x0  }
0x1c: {  	[sflag:s7] =	ssyncadd.s32 $0xFFFFFF38  }
0x1d: {  	[tilespmem:s9], [sflag:$0x1] =	stream.indirect.gather [hbm4b:s2+s8], $0x80, s3, s8, $0xb8;
	[tilespmem:$0x6500] =	vst v63  }
0x1e: {  	_ =	swait.ge [sflag:s10], $0x6400  }
.Ltmp0:
0x1f: {  	[sflag:s10] =	ssyncset.done $0x0;
	(pc) =	sbr.rel @p0 .LBB2_2-.Ltmp0, $4  }
0x20: {  	[sflag:s10] =	ssyncadd.s32 $0xFFFF9C00  }
0x21: {  	[hbm4b:s12+s3] =	stream.linear.scatter [tilespmem:s9], [sflag:$0x2], $0x6400, $0x38;
	[tilespmem:$0x6500] =	vst v63  }
0x22: {  	_ =	swait.ge [sflag:s7], $0x6400  }
0x23: {  	s14 =	smov.u32 s16;
	s12 =	sadd.s32 $0xC80, s12;
	[sflag:s7] =	ssyncset.done $0x0  }
0x24: {  	s13 =	sadd.s32 s13, s6;
	[sflag:s7] =	ssyncadd.s32 $0xFFFF9C00  }
0x25: {  	[tilespmem:s3], [sflag:$0x2] =	stream.linear.gather [hbm4b:s13+s3], $0xC8, $0x38;
	[tilespmem:$0x6500] =	vst v63  }
0x26: {  	_ =	swait.ge [sflag:s7], $0xC8  }
0x27: {  	[sflag:s7] =	ssyncset.done $0x0  }
0x28: {  	[sflag:s7] =	ssyncadd.s32 $0xFFFFFF38  }
0x29: {  	[tilespmem:s9], [sflag:$0x1] =	stream.indirect.gather [hbm4b:s2+s8], $0x80, s3, s8, $0xb8;
	[tilespmem:$0x6500] =	vst v63  }
0x2a: {  	s11 =	sadd.s32 $0x1, s11;
	_ =	swait.ge [sflag:s10], $0x6400  }
0x2b: {  	p0 =	sne.s32 s11, s4;
	[sflag:s10] =	ssyncset.done $0x0  }
.Ltmp1:
0x2c: {  	[sflag:s10] =	ssyncadd.s32 $0xFFFF9C00;
	(pc) =	sbr.rel @p0 .LBB2_1-.Ltmp1, $4  }
0x2d: {  	[hbm4b:s12+s3] =	stream.linear.scatter [tilespmem:s9], [sflag:$0x2], $0x6400, $0x38;
	[tilespmem:$0x6500] =	vst v63  }
0x2e: {  	_ =	swait.ge [sflag:s7], $0x6400  }
0x2f: {  	[sflag:s7] =	ssyncset.done $0x0  }
0x30: {  	[sflag:s7] =	ssyncadd.s32 $0xFFFF9C00  }
0x31: {  	_ =	sfence.sel $0x180000  }
0x32: {  	[bflag:$0x0] =	sbarrier.arrive $0xFFFF  }
0x33: {  	p0 =	sne.s32 s0, $0x0;
	_ =	strace $0x90000047  }
0x34: {  	s0 =	sadd.s32 @!p0 $0x100000, s1;
	[bflag:$0x2] =	sbarrier.arrive $0xFFFF  }
0x35: {  	[sflag:s0] =	ssyncadd.tile.s32 @!p0 $0x1;
	_ =	shalt  }
.Lfunc_end2:
_tile_overlayer_lowered:
.L_overlay_start_2:
0x36: {  	(tag) =	ssettag $0x2  }
0x37: {  	s0 =	rddreg [dreg:$0x0];
	s2 =	stileid.u32  }
0x38: {  	s1 =	rddreg [dreg:$0x1];
	p0 =	sne.s32 s2, $0x0  }
0x39: {  	s3 =	rddreg [dreg:$0x2];
	[bflag:$0x3] =	sbarrier.arrive $0xFFFF;
	s2 =	simm.s32 @!p0 $0x1C02  }
0x3a: {  	[timem:s3], [sflag:s2] =	dma.local @!p0 [hbm:s0], s1  }
0x3b: {  	s0 =	simm.s32 @!p0 $0x2  }
0x3c: {  	_ =	swait.ge @!p0 [sflag:s0], s1  }
0x3d: {  	s1 =	ssub.s32 @!p0 $0x0, s1;
	[sflag:s0] =	ssyncset.done @!p0 $0x0  }
0x3e: {  	[sflag:s0] =	ssyncadd.s32 @!p0 s1  }
0x3f: {  	[bflag:$0x3] =	sbarrier.arrive $0xFFFF  }
0x40: {  	_ =	shalt  }

// kernel: scatter_offload_async_start
scs
__scs_entry_jumppad:
0x0: {  	(pc) =	sbr.rel $0x88, $3  }
0x1: {  	(tag) =	ssettag $0x0;
	lr =	simm.s32 $0x1  }
0x2: {  	[smem:$0x3F8E] =	sst lr;
	_ =	strace $0xD0000000  }
0x3: {  	_ = 	snop  }
0x4: {  	_ = 	snop  }
0x5: {  	_ = 	snop  }
0x6: {  	_ = 	snop  }
0x7: {  	_ = 	snop  }
__scs_overlays_trampoline_lowered:
0x8: {  	[smem:$0x3F9D] =	sst s0  }
0x9: {  	[smem:$0x3F9E] =	sst s1  }
0xa: {  	[smem:$0x3F9F] =	sst s2  }
0xb: {  	[smem:$0x3FA0] =	sst s3  }
0xc: {  	[smem:$0x3FA1] =	sst s4  }
0xd: {  	[smem:$0x3FA2] =	sst s5  }
0xe: {  	[smem:$0x3FA3] =	sst s6  }
0xf: {  	[smem:$0x3FA4] =	sst s7  }
0x10: {  	[smem:$0x3FA5] =	sst s8  }
0x11: {  	[smem:$0x3FA6] =	sst s9;
	s0 =	simm.s32 @!p0 $0x0  }
0x12: {  	s1 =	sld [smem:$0x3F8C];
	s0 =	simm.s32 @p0 $0x1  }
0x13: {  	[smem:$0x3FA7] =	sst s0;
	s0 =	simm.s32 @!p1 $0x0  }
0x14: {  	s2 =	sld [smem:$0x3F8B];
	s0 =	simm.s32 @p1 $0x1  }
0x15: {  	[smem:$0x3FA8] =	sst s0;
	s0 =	simm.s32 @!p2 $0x0  }
0x16: {  	s3 =	sld [smem:$0x3FDB];
	s0 =	simm.s32 @p2 $0x1  }
0x17: {  	s4 =	simm.s32 $0x1BF5;
	[smem:$0x3FAA] =	sst s0  }
0x18: {  	s0 =	sld [smem:$0x3F8D];
	_ =	swait.ge [sflag:s4], $0x0  }
0x19: {  	s7 =	sld [smem:$0x3F8E]  }
0x1a: {  	s8 =	sadd.s32 $0xFFFFE003, lr  }
0x1b: {  	s9 =	sadd.s32 $0xFFFFFEF7, lr;
	s5 =	simm.s32 $0xFFFFFFFF;
	p2 =	slt.u32 s8, $0xFFFFF086  }
0x1c: {  	p1 =	slt.u32 s9, $0xF7A;
	s5 =	simm.s32 @!p2 $0x0  }
0x1d: {  	s5 =	simm.s32 @p1 $0x1;
	p0 =	seq.s32 s7, s2  }
0x1e: {  	s7 =	smul.u32 @!p0 $0xF7A, s2;
	p2 =	seq.s32 @!p0 s5, $0x0  }
0x1f: {  	s9 =	smul.u32 $0xF7A, s1;
	s8 =	simm.s32 @!p0 $0x1BF5;
	p2 =	por !p2, p0  }
0x20: {  	[sflag:s8] =	ssyncset.s32 @!p0 $0xFFFFF086;
	s6 =	sadd.s32 @!p0 s3, s7;
	s7 =	simm.s32 @!p0 $0x108  }
0x21: {  	s3 =	sadd.s32 s3, s9;
	s6 =	sadd.s32 @!p0 $0x88, s6;
	s7 =	simm.s32 @p2 $0x1082  }
0x22: {  	[simem:s7], [sflag:s8] =	dma.local @!p0 [hbm:s6], $0xF7A  }
0x23: {  	s9 =	sor.u32 $0xD0000000, s2;
	s6 =	simm.s32 $0x108;
	_ =	swait.ge @!p0 [sflag:s8], $0x0  }
0x24: {  	s3 =	sadd.s32 $0x88, s3;
	s6 =	simm.s32 @!p1 $0x1082;
	[sflag:s4] =	ssyncset.s32 $0xFFFFF086  }
0x25: {  	[simem:s6], [sflag:s4] =	dma.local [hbm:s3], $0xF7A  }
0x26: {  	[smem:$0x3F8E] =	sst s1;
	(tag) =	ssettag s2;
	_ =	strace s9  }
0x27: {  	s1 =	sld [smem:$0x3F9E]  }
0x28: {  	s2 =	sld [smem:$0x3F9F]  }
0x29: {  	s4 =	sld [smem:$0x3FA1]  }
0x2a: {  	p0 =	seq.s32 s5, $0x0;
	s5 =	sld [smem:$0x3FA2]  }
0x2b: {  	s6 =	sld [smem:$0x3FA3]  }
0x2c: {  	s7 =	sld [smem:$0x3FA4]  }
0x2d: {  	s3 =	simm.s32 $0x108;
	s8 =	sld [smem:$0x3FA5]  }
0x2e: {  	s3 =	simm.s32 @!p0 $0x1082;
	s9 =	sld [smem:$0x3FA6]  }
0x2f: {  	lr =	sadd.s32 s0, s3;
	s0 =	sld [smem:$0x3F9D]  }
0x30: {  	s3 =	sld [smem:$0x3FA0]  }
0x31: {  	[smem:$0x3FA9] =	sst s10  }
0x32: {  	s10 =	sld [smem:$0x3FA7];
	_ =	sdelay $0x3  }
0x33: {  	p0 =	seq.s32 s10, $0x1;
	s10 =	sld [smem:$0x3FA9];
	_ =	sdelay $0x3  }
0x34: {  	[smem:$0x3FA9] =	sst s10  }
0x35: {  	s10 =	sld [smem:$0x3FA8];
	_ =	sdelay $0x3  }
0x36: {  	p1 =	seq.s32 s10, $0x1;
	s10 =	sld [smem:$0x3FA9];
	_ =	sdelay $0x3  }
0x37: {  	[smem:$0x3FA9] =	sst s10  }
0x38: {  	s10 =	sld [smem:$0x3FAA]  }
0x39: {  	_ = 	snop;
	(pc) =	sbr.ind lr, $3  }
0x3a: {  	_ = 	snop  }
0x3b: {  	_ = 	snop  }
0x3c: {  	p2 =	seq.s32 s10, $0x1;
	s10 =	sld [smem:$0x3FA9]  }
0x3d: {  	_ =	shalt  }
0x3e: {  	_ =	shalt  }
0x3f: {  	_ =	shalt  }
0x40: {  	_ =	shalt  }
0x41: {  	_ =	shalt  }
0x42: {  	_ =	shalt  }
0x43: {  	_ =	shalt  }
0x44: {  	_ =	shalt  }
0x45: {  	_ =	shalt  }
0x46: {  	_ =	shalt  }
0x47: {  	_ =	shalt  }
0x48: {  	_ =	shalt  }
0x49: {  	_ =	shalt  }
0x4a: {  	_ =	shalt  }
0x4b: {  	_ =	shalt  }
0x4c: {  	_ =	shalt  }
0x4d: {  	_ =	shalt  }
0x4e: {  	_ =	shalt  }
0x4f: {  	_ =	shalt  }
0x50: {  	_ =	shalt  }
0x51: {  	_ =	shalt  }
0x52: {  	_ =	shalt  }
0x53: {  	_ =	shalt  }
0x54: {  	_ =	shalt  }
0x55: {  	_ =	shalt  }
0x56: {  	_ =	shalt  }
0x57: {  	_ =	shalt  }
0x58: {  	_ =	shalt  }
0x59: {  	_ =	shalt  }
0x5a: {  	_ =	shalt  }
0x5b: {  	_ =	shalt  }
0x5c: {  	_ =	shalt  }
0x5d: {  	_ =	shalt  }
0x5e: {  	_ =	shalt  }
0x5f: {  	_ =	shalt  }
0x60: {  	_ =	shalt  }
0x61: {  	_ =	shalt  }
0x62: {  	_ =	shalt  }
0x63: {  	_ =	shalt  }
0x64: {  	_ =	shalt  }
0x65: {  	_ =	shalt  }
0x66: {  	_ =	shalt  }
0x67: {  	_ =	shalt  }
0x68: {  	_ =	shalt  }
0x69: {  	_ =	shalt  }
0x6a: {  	_ =	shalt  }
0x6b: {  	_ =	shalt  }
0x6c: {  	_ =	shalt  }
0x6d: {  	_ =	shalt  }
0x6e: {  	_ =	shalt  }
0x6f: {  	_ =	shalt  }
0x70: {  	_ =	shalt  }
0x71: {  	_ =	shalt  }
0x72: {  	_ =	shalt  }
0x73: {  	_ =	shalt  }
0x74: {  	_ =	shalt  }
0x75: {  	_ =	shalt  }
0x76: {  	_ =	shalt  }
0x77: {  	_ =	shalt  }
0x78: {  	_ =	shalt  }
0x79: {  	_ =	shalt  }
0x7a: {  	_ =	shalt  }
0x7b: {  	_ =	shalt  }
0x7c: {  	_ =	shalt  }
0x7d: {  	_ =	shalt  }
0x7e: {  	_ =	shalt  }
0x7f: {  	_ =	shalt  }
0x80: {  	_ =	shalt  }
0x81: {  	_ =	shalt  }
0x82: {  	_ =	shalt  }
0x83: {  	_ =	shalt  }
0x84: {  	_ =	shalt  }
0x85: {  	_ =	shalt  }
0x86: {  	_ =	shalt  }
0x87: {  	_ =	shalt  }
.Lfunc_end0:
.L_simem_size_0:
called_computation_lowered:
.L_overlay_start_0:
0x88: {  	s2 =	sld [smem:$0x3FD9]  }
0x89: {  	s3 =	sld [smem:$0x3FFE];
	_ =	sdelay $0x1  }
0x8a: {  	s1 =	srdreg.scid  }
0x8b: {  	s0 =	sand.u32 $0x1, s1  }
0x8c: {  	s13 =	sshll.u32 s0, $0xA;
	s2 =	sadd.s32 s3, s2  }
0x8d: {  	s2 =	sadd.s32 s2, s13  }
0x8e: {  	[smem:$0x3FB5] =	sst s2  }
0x8f: {  	_ = 	snop  }
0x90: {  	s2 =	sld [smem:$0x3FD0];
	_ =	sdelay $0x2  }
0x91: {  	s14 =	simm.s32 $0xA;
	s4 =	simm.s32 $0x10  }
0x92: {  	[smem:s4], [sflag:s14] =	dma.local [hbm:s2], $0x1  }
0x93: {  	_ =	swait.eq [sflag:s14], $0x1  }
0x94: {  	[sflag:s14] =	ssyncset.done $0x0  }
0x95: {  	s15 =	sld [smem:$0x10];
	[sflag:s14] =	ssyncadd.s32 $0xFFFFFFFF  }
0x96: {  	s16 =	sld [smem:$0x11];
	(tm) =	ssettm $0x1  }
0x97: {  	s17 =	sld [smem:$0x3FFB];
	_ =	sdelay $0x3  }
0x98: {  	_ =	strace s17  }
0x99: {  	s4 =	sld [smem:$0x3FFC];
	_ =	sdelay $0x3  }
0x9a: {  	_ =	strace s4  }
0x9b: {  	s4 =	sld [smem:$0x3FFD];
	_ =	sdelay $0x3  }
0x9c: {  	_ =	strace s4  }
0x9d: {  	_ =	strace $0x8FFFFFFF  }
0x9e: {  	s18 =	sld [smem:$0x3FDB];
	_ =	sdelay $0x1  }
0x9f: {  	s5 =	simm.s32 $_scs_section_size  }
0xa0: {  	s6 =	simm.s32 $_size__tile_overlayer_lowered;
	s7 =	simm.s32 $_tile_overlayer_lowered  }
0xa1: {  	s21 =	simm.s32 $0x1BFF;
	s20 =	sshll.u32 s7, $0x1;
	s4 =	sadd.s32 s5, s18  }
0xa2: {  	s8 =	simm.s32 $0x0;
	s19 =	sshll.u32 s6, $0x1;
	s6 =	sadd.s32 s20, s4  }
0xa3: {  	[timem:s8], [sflag:s21] =	dma.local [hbm:s6], s19  }
0xa4: {  	_ =	swait.ge [sflag:s21], s19  }
0xa5: {  	s5 =	ssub.s32 $0x0, s19;
	[sflag:s21] =	ssyncset.done $0x0  }
0xa6: {  	[sflag:s21] =	ssyncadd.s32 s5;
	_ =	sdelay $0x1  }
0xa7: {  	s22 =	simm.s32 $0x1B8B  }
0xa8: {  	_ =	swait.ge [sflag:s22], $0x1  }
0xa9: {  	[sflag:s22] =	ssyncset.done $0x0  }
0xaa: {  	s23 =	sld [smem:$0x3FFE];
	[sflag:s22] =	ssyncadd.s32 $0xFFFFFFFF  }
0xab: {  	s25 =	simm.s32 $0x1B8E;
	s24 =	sld [smem:$0x0]  }
0xac: {  	s26 =	simm.s32 $execute0_lowered;
	[smem:$0x3FD2] =	sst s25  }
0xad: {  	s7 =	sshll.u32 s26, $0x1;
	_ =	strace $0x80000049;
	[dreg:$0x1] =	wrdreg $0xFFFFFFFF  }
0xae: {  	s28 =	simm.s32 $_size_execute0_lowered;
	s4 =	sadd.s32 s4, s7;
	[dreg:$0x0] =	wrdreg $0x0  }
0xaf: {  	s7 =	sshll.u32 s28, $0x1;
	[dreg:$0x2] =	wrdreg s4  }
0xb0: {  	[dreg:$0x3] =	wrdreg s7  }
0xb1: {  	[dreg:$0x4] =	wrdreg $0xC0  }
0xb2: {  	_ =	task [dreg:s8], $0x5FFFF  }
0xb3: {  	[dreg:$0x1] =	wrdreg $0xFFFFFFFF  }
0xb4: {  	[dreg:$0x0] =	wrdreg $0x60  }
0xb5: {  	[dreg:$0x2] =	wrdreg s16  }
0xb6: {  	[dreg:$0x3] =	wrdreg s15  }
0xb7: {  	[dreg:$0x4] =	wrdreg s23  }
0xb8: {  	[dreg:$0x5] =	wrdreg s1  }
0xb9: {  	[dreg:$0x6] =	wrdreg s24  }
0xba: {  	[dreg:$0x7] =	wrdreg $0x9  }
0xbb: {  	_ =	task.clear_ibuf [dreg:s8], $0x8FFFF;
	_ =	strace $0x90000049  }
0xbc: {  	s29 =	simm.s32 $0x9;
	_ =	strace $0x8000004B  }
0xbd: {  	_ =	swait.ge [sflag:s29], $0x1  }
0xbe: {  	[sflag:s29] =	ssyncadd.s32 $0xFFFFFFFF  }
0xbf: {  	_ =	strace $0x9000004B  }
0xc0: {  	_ =	sfence  }
0xc1: {  	s30 =	sld [smem:$0x0];
	_ =	sdelay $0x2  }
0xc2: {  	s31 =	sshll.u32 s1, $0xD;
	s1 =	sshrl.u32 s1, $0x2  }
0xc3: {  	s3 =	sand.u32 $0x4000, s31;
	s1 =	sadd.s32 s1, s30  }
0xc4: {  	s0 =	sor.u32 s3, s0;
	s1 =	sshll.u32 s1, $0x11  }
0xc5: {  	s0 =	sor.u32 s1, s0  }
0xc6: {  	s0 =	sadd.s32 $0x8F2B, s0  }
0xc7: {  	[sflag:s0] =	ssyncadd.remote.s32 $0x1  }
0xc8: {  	_ =	sfence.sel $0xFFFF  }
0xc9: {  	[dreg:$0x0] =	wrdreg $0xFFFFFFFF;
	(pc) =	sbr.abs _section_cstart, $3  }
0xca: {  	[dreg:$0x1] =	wrdreg $0xFFFFFFFF  }
0xcb: {  	_ =	task.clear_ibuf [dreg:s8], $0x2FFFF;
	_ =	strace $0x9FFFFFFF  }
0xcc: {  	(tm) =	ssettm $0x7FFFFFFF  }
0xcd: {  	_ =	shalt  }
tec
execute0_lowered:
.L_overlay_start_1:
0x0: {  	(tag) =	ssettag $0x1  }
0x1: {  	s1 =	rddreg [dreg:$0x0]  }
0x2: {  	s0 =	rddreg [dreg:$0x1]  }
0x3: {  	s2 =	rddreg [dreg:$0x2]  }
0x4: {  	s4 =	rddreg [dreg:$0x3];
	_ =	strace $0x8000004A;
	s3 =	simm.s32 $0x1  }
0x5: {  	v0 =	vimm.s32 $0x0;
	[sflag:s3] =	ssyncpa.u1 $0x0;
	s3 =	simm.s32 $0x188  }
0x6: {  	[tilespmem:s3+$0x30] =	vst v0  }
0x7: {  	s6 =	sadd.s32 $0x32A6000, s2;
	[tilespmem:s3+$0x20] =	vst v0  }
0x8: {  	s2 =	sadd.s32 $0x1A23800, s2;
	s7 =	sand.u32 $0x1, s4;
	s4 =	simm.s32 $0x40;
	[tilespmem:s3+$0x10] =	vst v0  }
.LBB2_1:
0x9: {  	s4 =	sadd.s32 $0x40, s4  }
0xa: {  	[tilespmem:s3+$0x0] =	vst v0;
	s3 =	sadd.s32 $0x40, s3;
	p0 =	slt.u32 s4, $0x60C0  }
.Ltmp0:
0xb: {  	(pc) =	sbr.rel @p0 .LBB2_1-.Ltmp0, $4  }
0xc: {  	_ = 	snop  }
0xd: {  	[tilespmem:s3+$0x30] =	vst v0  }
0xe: {  	[tilespmem:s3+$0x20] =	vst v0  }
0xf: {  	[tilespmem:s3+$0x10] =	vst v0  }
0x10: {  	s10 =	stileid.u32;
	s24 =	simm.s32 $0x2  }
0x11: {  	s26 =	simm.s32 $0x9;
	s28 =	simm.s32 $0xA;
	[dreg:$0x6] =	wrdreg s7  }
0x12: {  	s29 =	smul.u32 $0xC350, s7;
	s30 =	simm.s32 $0xB;
	p1 =	por $0x0, $0x0  }
0x13: {  	s18 =	simm.s32 $0x1;
	s19 =	simm.s32 $0x80;
	s4 =	smul.u32 $0xC3, s10  }
0x14: {  	s20 =	simm.s32 $0x400;
	s14 =	simm.s32 $0xC;
	s5 =	smin.u32 s10, $0x5  }
0x15: {  	p0 =	slt.u32 s10, $0x5;
	s4 =	sadd.s32 s5, s4;
	s5 =	simm.s32 $0x6200  }
0x16: {  	s22 =	simm.s32 $0x0;
	s21 =	sshll.u32 s4, $0x7;
	s5 =	simm.s32 @!p0 $0x6180  }
0x17: {  	[tilespmem:s3+$0x0] =	vst v0;
	v0 =	vimm.s32 $0xFFFFFFFF;
	[sflag:s24] =	ssyncpa.u1 $0x0;
	s31 =	smul.u32 $0x600, s10;
	s25 =	sadd.s32 s5, s21  }
0x18: {  	s24 =	simm.s32 $0x0;
	[tilespmem:$0xC308] =	vst v0;
	[sflag:s26] =	ssyncpa.u1 $0x0;
	s9 =	smin.u32 s25, $0x61A80  }
.Ltmp1:
0x19: {  	s17 =	sadd.s32 s29, s2;
	s3 =	ssub.s32 s9, s21;
	(pc) =	sbr.rel .LBB2_3-.Ltmp1, $4  }
0x1a: {  	s0 =	sadd.s32 s29, s0;
	[sflag:s28] =	ssyncpa.u1 $0x0;
	p0 =	sgt.s32 s3, $0x0  }
0x1b: {  	[dreg:$0x7] =	wrdreg s0;
	s16 =	sshrl.u32 s31, $0x2;
	s3 =	simm.s32 @!p0 $0x0  }
0x1c: {  	[sflag:s30] =	ssyncpa.u1 $0x0;
	s23 =	smov.u32 s21;
	s13 =	sshrl.u32 s3, $0x7  }
0x1d: {  	v0 =	vlaneseq.u32;
	s25 =	simm.s32 $0x0;
	p0 =	por $0x1, $0x1;
	s12 =	sadd.s32 $0x1, s13  }
.LBB2_24:
0x1e: {  	s2 =	sshrl.u32 s5, $0x2  }
.LBB2_26:
0x1f: {  	_ =	swait.ge [sflag:s14], s2  }
0x20: {  	s31 =	ssub.s32 $0x0, s2;
	v1 =	vmov s0;
	vm0 =	veq.s32 v0, $0x0;
	[sflag:s14] =	ssyncset.done $0x0  }
0x21: {  	vm15 =	veq.s32 v0, $0x2;
	v1 =	vsel vm0, s4, v1;
	[sflag:s14] =	ssyncadd.s32 s31  }
0x22: {  	v1 =	vsel vm15, s25, v1;
	[sflag:s14] =	ssyncpa.u1 $0x1  }
0x23: {  	[tilespmem:$0xC308] =	vst v1  }
.LBB2_27:
0x24: {  	s0 =	sadd.s32 $0x80, s23  }
0x25: {  	s2 =	smov.u32 s21;
	p2 =	slt.s32 s0, s9  }
0x26: {  	s2 =	smov.u32 @p2 s0;
	p2 =	sne.s32 s24, s12  }
.Ltmp2:
0x27: {  	_ = 	snop;
	(pc) =	sbr.rel @!p2 .LBB2_28-.Ltmp2, $4  }
0x28: {  	_ = 	snop  }
0x29: {  	s25 =	smov.u32 s22  }
0x2a: {  	s31 =	sadd.s32 $0x1, s24;
	s22 =	smov.u32 s23;
	p0 =	por !p0, !p0  }
0x2b: {  	p1 =	por !p1, !p1;
	s24 =	smov.u32 s31;
	s23 =	smov.u32 s2  }
.LBB2_3:
0x2c: {  	p2 =	sge.u32 s24, s13  }
0x2d: {  	s0 =	smov.u32 s23;
	p3 =	sgt.s32 @!p2 s23, $0x61A00  }
0x2e: {  	s2 =	sshra.s32 @!p2 s23, $0x1F;
	s3 =	smulhi.u32 @!p2 $0xAAAAAAAB, s24;
	p3 =	por !p3, p2  }
0x2f: {  	s2 =	sand.u32 @!p2 s2, s23;
	s0 =	simm.s32 @p3 $0x61A00  }
0x30: {  	s0 =	ssub.s32 @!p2 s0, s2;
	s2 =	sshrl.u32 @!p2 s3, $0x1  }
0x31: {  	s0 =	sadd.s32 @!p2 $0xFFF9E600, s0;
	s2 =	smul.u32 @!p2 $0x3, s2  }
0x32: {  	s4 =	sand.u32 @!p2 $0x7, s23;
	s3 =	sshll.u32 @!p2 s0, $0x2;
	p3 =	sgt.s32 @!p2 s0, $0x7F  }
0x33: {  	s0 =	ssub.s32 @!p2 $0x200, s3;
	s2 =	ssub.s32 @!p2 s24, s2;
	p3 =	por !p3, p2  }
0x34: {  	s3 =	sshrl.u32 @!p2 s23, $0x3;
	s0 =	sshrl.u32 @!p2 s0, $0x2;
	s2 =	sshll.u32 @!p2 s2, $0x7  }
0x35: {  	s3 =	sadd.s32 @!p2 s3, s17;
	s0 =	simm.s32 @!p3 $0x0;
	s2 =	sadd.s32 @!p2 $0xDB48, s2  }
0x36: {  	[tilespmem:s2], [sflag:$0xA] =	stream.linear.gather @!p2 [hbm4b:s3+s4], s0, $0x38;
	[tilespmem:$0x1DDC8] =	vst v63  }
0x37: {  	s0 =	sadd.s32 $0xFFFFFFFF, s24  }
0x38: {  	p2 =	sge.u32 s0, s13  }
.Ltmp3:
0x39: {  	_ = 	snop;
	(pc) =	sbr.rel @p2 .LBB2_9-.Ltmp3, $1  }
0x3a: {  	_ =	sdelay $0x3  }
0x3b: {  	p2 =	sgt.s32 s22, $0x61A00;
	s2 =	smov.u32 s22;
	s3 =	sshra.s32 s22, $0x1F  }
0x3c: {  	s10 =	smulhi.u32 $0xAAAAAAAB, s0;
	s2 =	simm.s32 @!p2 $0x61A00;
	s3 =	sand.u32 s3, s22  }
0x3d: {  	s5 =	sand.u32 $0x1, s0;
	s7 =	simm.s32 $0xA;
	s2 =	ssub.s32 s2, s3  }
0x3e: {  	s26 =	sshrl.u32 s22, $0x3;
	s3 =	sshrl.u32 s10, $0x1;
	s2 =	sadd.s32 $0xFFF9E600, s2  }
0x3f: {  	s5 =	sshll.u32 s5, $0x7;
	s3 =	smul.u32 $0x3, s3;
	s4 =	sshll.u32 s2, $0x2  }
0x40: {  	s29 =	sand.u32 $0x7, s22;
	s5 =	sadd.s32 $0xDCC8, s5;
	s4 =	ssub.s32 $0x200, s4  }
0x41: {  	p2 =	sgt.s32 s2, $0x7F;
	s11 =	ssub.s32 s0, s3;
	s2 =	sshrl.u32 s4, $0x2  }
0x42: {  	s4 =	simm.s32 $0x1;
	s0 =	sshll.u32 s11, $0x7;
	s2 =	simm.s32 @p2 $0x0  }
0x43: {  	s4 =	simm.s32 @!p0 $0x0;
	s31 =	sadd.s32 $0xDB48, s0;
	_ =	swait.ge [sflag:s7], s2  }
0x44: {  	s15 =	ssub.s32 $0x0, s2;
	s30 =	sshll.u32 s4, $0xF;
	s4 =	simm.s32 $0x0  }
0x45: {  	[sflag:s7] =	ssyncset.done $0x0;
	s28 =	rddreg [dreg:$0x7];
	s0 =	sadd.s32 $0xDDC8, s30  }
0x46: {  	[sflag:s7] =	ssyncadd.s32 s15;
	s3 =	sadd.s32 s26, s28;
	s26 =	simm.s32 $0x0  }
0x47: {  	v1 =	vmov s31;
	[tilespmem:s5], [sflag:$0xB] =	stream.linear.gather [hbm4b:s3+s29], s2, $0x38;
	[tilespmem:$0x1DDC8] =	vst v63  }
.LBB2_6:
0x48: {  	_ =	sdelay $0x3  }
0x49: {  	v2 =	vld.idx.msk [tilespmem:v1+s26+$0x0 ss:$0x1], $0xffff;
	_ =	sdelay $0x4  }
0x4a: {  	(v2sf) =	vpush v2, s4;
	_ =	sdelay $0x4  }
0x4b: {  	s2 =	simm.s32 $0x1  }
0x4c: {  	(v2sf) =	vpush v2, s2;
	_ =	sdelay $0x5  }
0x4d: {  	s30 =	simm.s32 $0x2  }
0x4e: {  	(v2sf) =	vpush v2, s30  }
0x4f: {  	s31 =	simm.s32 $0x3  }
0x50: {  	s29 =	spop (v2sf);
	(v2sf) =	vpush v2, s31;
	_ =	sdelay $0x2  }
0x51: {  	s3 =	sshll.u32 s29, $0x8;
	s2 =	sshll.u32 s29, $0x7  }
0x52: {  	s3 =	sand.u32 $0xFFFFF800, s3;
	s2 =	sand.u32 $0x380, s2  }
0x53: {  	s2 =	sor.u32 s2, s3  }
0x54: {  	s5 =	smov.u32 s26;
	s10 =	spop (v2sf);
	s2 =	sshrl.u32 s2, $0x3  }
0x55: {  	s26 =	sadd.s32 $0x10, s26;
	s7 =	sshll.u32 s10, $0x8;
	s2 =	sadd.s32 s6, s2  }
0x56: {  	[tilespmem:s0], [sflag:$0x9] =	stream.strided.gather [hbm4b:s2+s19], $0x100, s20, s19, $0x38;
	[tilespmem:$0x1DDC8] =	vst v63  }
0x57: {  	s15 =	sshll.u32 s10, $0x7;
	s3 =	simm.s32 $0x4;
	s2 =	smov.u32 s0  }
.LBB2_7:
0x58: {  	(v2sf) =	vpush v2, s3;
	s7 =	sand.u32 $0xFFFFF800, s7;
	s10 =	sand.u32 $0x380, s15;
	p2 =	seq.s32 s3, $0xF  }
.Ltmp4:
0x59: {  	s3 =	sadd.s32 $0x1, s3;
	s7 =	sor.u32 s10, s7;
	(pc) =	sbr.rel @!p2 .LBB2_7-.Ltmp4, $4  }
0x5a: {  	s7 =	sshrl.u32 s7, $0x3  }
0x5b: {  	s2 =	sadd.s32 $0x100, s2;
	s10 =	spop (v2sf);
	s7 =	sadd.s32 s6, s7  }
0x5c: {  	[tilespmem:s2], [sflag:$0x9] =	stream.strided.gather [hbm4b:s7+s19], $0x100, s20, s19, $0x38;
	[tilespmem:$0x1DDC8] =	vst v63  }
0x5d: {  	s7 =	sshll.u32 s10, $0x8;
	s15 =	sshll.u32 s10, $0x7  }
0x5e: {  	s3 =	sand.u32 $0xFFFFF800, s7;
	s15 =	sand.u32 $0x380, s15  }
0x5f: {  	s3 =	sor.u32 s15, s3  }
0x60: {  	s28 =	spop (v2sf);
	s2 =	sadd.s32 $0x100, s2;
	s3 =	sshrl.u32 s3, $0x3  }
0x61: {  	s29 =	sshll.u32 s28, $0x8;
	s7 =	sshll.u32 s28, $0x7;
	s3 =	sadd.s32 s6, s3  }
0x62: {  	[tilespmem:s2], [sflag:$0x9] =	stream.strided.gather [hbm4b:s3+s19], $0x100, s20, s19, $0x38;
	[tilespmem:$0x1DDC8] =	vst v63  }
0x63: {  	s7 =	sand.u32 $0x380, s7;
	s3 =	sand.u32 $0xFFFFF800, s29  }
0x64: {  	s3 =	sor.u32 s7, s3  }
0x65: {  	s3 =	sshrl.u32 s3, $0x3  }
0x66: {  	s2 =	sadd.s32 $0x100, s2;
	s3 =	sadd.s32 s6, s3  }
0x67: {  	[tilespmem:s2], [sflag:$0x9] =	stream.strided.gather [hbm4b:s3+s19], $0x100, s20, s19, $0x38;
	[tilespmem:$0x1DDC8] =	vst v63  }
0x68: {  	s30 =	spop (v2sf)  }
0x69: {  	s31 =	sshll.u32 s30, $0x8;
	s7 =	sshll.u32 s30, $0x7  }
0x6a: {  	s3 =	sand.u32 $0xFFFFF800, s31;
	s7 =	sand.u32 $0x380, s7  }
0x6b: {  	s3 =	sor.u32 s7, s3  }
0x6c: {  	s3 =	sshrl.u32 s3, $0x3  }
0x6d: {  	s2 =	sadd.s32 $0x100, s2;
	s3 =	sadd.s32 s6, s3  }
0x6e: {  	[tilespmem:s2], [sflag:$0x9] =	stream.strided.gather [hbm4b:s3+s19], $0x100, s20, s19, $0x38;
	[tilespmem:$0x1DDC8] =	vst v63  }
0x6f: {  	p2 =	sgt.u32 s5, $0x6F  }
.Ltmp5:
0x70: {  	_ = 	snop;
	(pc) =	sbr.rel @!p2 .LBB2_6-.Ltmp5, $2  }
0x71: {  	_ =	sdelay $0x2  }
0x72: {  	s0 =	sadd.s32 $0x1000, s0  }
.LBB2_9:
0x73: {  	p2 =	slt.u32 s24, $0x2  }
.Ltmp6:
0x74: {  	_ = 	snop;
	(pc) =	sbr.rel @p2 .LBB2_27-.Ltmp6, $1  }
0x75: {  	_ =	sdelay $0x3  }
0x76: {  	p2 =	sgt.s32 s25, $0x61A00;
	s0 =	smov.u32 s25;
	s2 =	sshra.s32 s25, $0x1F  }
0x77: {  	s0 =	simm.s32 @!p2 $0x61A00;
	s2 =	sand.u32 s2, s25  }
0x78: {  	s0 =	ssub.s32 s0, s2  }
0x79: {  	s0 =	sadd.s32 $0xFFF9E600, s0  }
0x7a: {  	s3 =	simm.s32 $0x9;
	s28 =	sshll.u32 s0, $0x2  }
0x7b: {  	_ =	swait.ge [sflag:s3], $0x8000;
	s2 =	ssub.s32 $0x200, s28  }
0x7c: {  	[sflag:s3] =	ssyncset.done $0x0;
	p2 =	sgt.s32 s0, $0x7F;
	s0 =	sshrl.u32 s2, $0x2  }
0x7d: {  	s30 =	simm.s32 $0xB;
	[sflag:s3] =	ssyncadd.s32 $0xFFFF8000;
	s0 =	simm.s32 @p2 $0x0  }
0x7e: {  	_ =	swait.ge [sflag:s30], s0  }
0x7f: {  	s0 =	ssub.s32 $0x0, s0;
	[sflag:s30] =	ssyncset.done $0x0  }
0x80: {  	[sflag:s30] =	ssyncadd.s32 s0  }
0x81: {  	v1 =	vld [tilespmem:$0xC308];
	_ =	sdelay $0x4  }
0x82: {  	(v2sf) =	vpush v1, $0x0  }
0x83: {  	(v2sf) =	vpush v1, $0x1  }
0x84: {  	(v2sf) =	vpush v1, $0x2;
	_ =	sdelay $0x3  }
0x85: {  	s0 =	sadd.s32 $0x80, s25  }
0x86: {  	s2 =	ssub.s32 $0xC3500, s25;
	p2 =	slt.s32 s9, s0  }
0x87: {  	s0 =	smov.u32 @p2 s9;
	p2 =	sgt.s32 s2, $0x0  }
0x88: {  	s4 =	ssub.s32 s0, s25;
	s2 =	simm.s32 @!p2 $0x0  }
0x89: {  	p2 =	slt.s32 s2, s4  }
0x8a: {  	s4 =	smov.u32 @p2 s2  }
0x8b: {  	p2 =	slt.s32 s4, $0x1  }
.Ltmp7:
0x8c: {  	_ = 	snop;
	(pc) =	sbr.rel @p2 .LBB2_14-.Ltmp7, $4  }
0x8d: {  	s5 =	simm.s32 $0x1  }
0x8e: {  	s5 =	simm.s32 @!p1 $0x0;
	s29 =	spop (v2sf)  }
0x8f: {  	s31 =	sshll.u32 s5, $0x7;
	s2 =	spop (v2sf)  }
0x90: {  	s26 =	sadd.s32 $0xDCC8, s31;
	s25 =	spop (v2sf)  }
0x91: {  	s0 =	smin.u32 s4, $0x10  }
0x92: {  	v1 =	vmov s0  }
0x93: {  	vm1 =	vgt.u32 v1, v0  }
0x94: {  	p3 =	sgt.s32 s4, $0x10  }
.Ltmp8:
0x95: {  	_ = 	snop;
	(pc) =	sbr.rel @!p3 .LBB2_13-.Ltmp8, $2  }
0x96: {  	_ =	sdelay $0x2  }
0x97: {  	s3 =	simm.s32 $0x10;
	s28 =	sadd.s32 $0xFFFFFFF0, s4;
	s0 =	smov.u32 s26;
	vm0 =	vmmov vm1;
	v1 =	vld.msk [tilespmem:s26+$0x0 ss:$0x1], vm1  }
.LBB2_12:
0x98: {  	s7 =	smin.u32 s28, $0x10;
	s3 =	sadd.s32 $0x10, s3  }
0x99: {  	v2 =	vmov s7;
	p3 =	slt.s32 s3, s4  }
0x9a: {  	vm1 =	vgt.u32 v2, v0;
	_ =	sdelay $0x1  }
0x9b: {  	v2 =	vshll.u32 v1, $0x5;
	v1 =	vshll.u32 v1, $0x4  }
.Ltmp9:
0x9c: {  	v2 =	vand.u32 $0xFFFFFF00, v2;
	v1 =	vand.u32 $0x70, v1;
	(pc) =	sbr.rel @p3 .LBB2_12-.Ltmp9, $4  }
0x9d: {  	v1 =	vor.u32 v1, v2  }
0x9e: {  	[tilespmem:s0+$0x0] =	vst.msk vm0, v1;
	s0 =	sadd.s32 $0x10, s0;
	vm0 =	vmmov vm1  }
0x9f: {  	v1 =	vld.msk [tilespmem:s0+$0x0 ss:$0x1], vm1  }
0xa0: {  	s28 =	sadd.s32 $0xFFFFFFF0, s28  }
.LBB2_13:
0xa1: {  	_ =	sdelay $0x3  }
0xa2: {  	v2 =	vshll.u32 v1, $0x5;
	v1 =	vshll.u32 v1, $0x4  }
0xa3: {  	v2 =	vand.u32 $0xFFFFFF00, v2;
	v1 =	vand.u32 $0x70, v1  }
0xa4: {  	v1 =	vor.u32 v1, v2  }
0xa5: {  	[tilespmem:s0+$0x0] =	vst.msk vm0, v1  }
.LBB2_14:
0xa6: {  	s0 =	sand.u32 $0x1, s24  }
0xa7: {  	p3 =	sne.s32 s2, $0xFFFFFFFF;
	s0 =	sshll.u32 s0, $0x7  }
0xa8: {  	v1 =	vld.msk @!p3 [tilespmem:s0+$0xDCC8], $0x1;
	_ =	sdelay $0x4  }
0xa9: {  	(v2sf) =	vpush @!p3 v1, $0x0;
	_ =	sdelay $0xc  }
.Ltmp10:
0xaa: {  	_ = 	snop;
	(pc) =	sbr.rel @p2 .LBB2_25-.Ltmp10, $4  }
0xab: {  	_ = 	snop  }
0xac: {  	s28 =	spop @!p3 (v2sf)  }
0xad: {  	s25 =	simm.s32 @!p3 $0x0;
	s0 =	smov.u32 s28  }
0xae: {  	[sflag:s14] =	ssyncpa.u1 $0x0;
	s28 =	smov.u32 @p3 s29;
	s0 =	smov.u32 @p3 s2  }
0xaf: {  	v1 =	vld.msk [tilespmem:s26+$0x0], $0x1;
	_ =	sdelay $0x4  }
0xb0: {  	(v2sf) =	vpush v1, $0x0;
	_ =	sdelay $0xe  }
0xb1: {  	s8 =	smov.u32 s12;
	s2 =	spop (v2sf)  }
0xb2: {  	s29 =	simm.s32 $0x0;
	s3 =	sshll.u32 s5, $0xF;
	p2 =	seq.s32 s28, s2  }
0xb3: {  	s7 =	smov.u32 s28;
	s31 =	ssub.s32 $0x0, s4;
	p3 =	sgt.s32 @!p2 s28, $0x0  }
0xb4: {  	s30 =	sadd.s32 $0xDE28, s3;
	s5 =	smul.u32 @!p2 $0x300, s29;
	p3 =	por !p3, p2  }
0xb5: {  	s4 =	sadd.s32 $0x1, s31;
	s3 =	simm.s32 @!p2 $0x1;
	s7 =	simm.s32 @p3 $0x0  }
0xb6: {  	s5 =	sshra.s32 @!p2 s5, $0x2;
	p3 =	seq.s32 s4, $0x0;
	s7 =	smin.u32 @!p2 s7, $0x186978  }
.Ltmp11:
0xb7: {  	s10 =	sadd.s32 @!p2 $0x6248, s5;
	s15 =	sand.u32 @!p2 $0x1FFFF8, s7;
	(pc) =	sbr.rel @p3 .LBB2_17-.Ltmp11, $4  }
0xb8: {  	s11 =	sadd.s32 @!p2 $0x80, s7;
	s12 =	sadd.s32 @!p2 s1, s15;
	s15 =	sand.u32 @!p2 $0x7, s7  }
0xb9: {  	[tilespmem:s10], [sflag:$0x2] =	stream.linear.gather @!p2 [hbm4b:s12+s15], $0x80, $0x38;
	[tilespmem:$0x1DDC8] =	vst v63  }
0xba: {  	s3 =	smov.u32 @p2 s29;
	s10 =	sand.u32 @!p2 $0x3FFFF8, s11  }
0xbb: {  	s7 =	sadd.s32 @!p2 $0x62C8, s5;
	s5 =	sadd.s32 $0x1, s26;
	s10 =	sadd.s32 @!p2 s1, s10  }
.LBB2_16:
0xbc: {  	s11 =	smov.u32 s3  }
0xbd: {  	[tilespmem:s7], [sflag:$0x2] =	stream.linear.gather @!p2 [hbm4b:s10+s15], $0x40, $0x38;
	[tilespmem:$0x1DDC8] =	vst v63  }
0xbe: {  	s4 =	sadd.s32 $0x1, s4;
	s7 =	smov.u32 s2;
	v1 =	vld.msk [tilespmem:s5+$0x0], $0x1  }
0xbf: {  	p3 =	seq.s32 s4, $0x0;
	_ =	sdelay $0x3  }
0xc0: {  	(v2sf) =	vpush v1, $0x0;
	_ =	sdelay $0xe  }
0xc1: {  	s2 =	spop (v2sf)  }
0xc2: {  	p2 =	seq.s32 s7, s2  }
0xc3: {  	p4 =	sgt.s32 @!p2 s7, $0x0;
	s10 =	smul.u32 @!p2 $0x300, s3;
	s3 =	sadd.s32 @!p2 $0x1, s3  }
0xc4: {  	p4 =	por !p4, p2;
	s3 =	smov.u32 @p2 s11  }
0xc5: {  	s7 =	simm.s32 @p4 $0x0;
	s10 =	sshra.s32 @!p2 s10, $0x2  }
.Ltmp12:
0xc6: {  	s11 =	smin.u32 @!p2 s7, $0x186978;
	s12 =	sadd.s32 @!p2 $0x6248, s10;
	(pc) =	sbr.rel @!p3 .LBB2_16-.Ltmp12, $4  }
0xc7: {  	s7 =	sadd.s32 @!p2 $0x62C8, s10;
	s15 =	sand.u32 @!p2 $0x1FFFF8, s11;
	s14 =	sadd.s32 @!p2 $0x80, s11  }
0xc8: {  	s10 =	sadd.s32 @!p2 s1, s15;
	s15 =	sand.u32 @!p2 $0x7, s11;
	s11 =	sand.u32 @!p2 $0x3FFFF8, s14  }
0xc9: {  	[tilespmem:s12], [sflag:$0x2] =	stream.linear.gather @!p2 [hbm4b:s10+s15], $0x80, $0x38;
	[tilespmem:$0x1DDC8] =	vst v63  }
0xca: {  	s5 =	sadd.s32 $0x1, s5;
	s10 =	sadd.s32 @!p2 s1, s11  }
.LBB2_17:
0xcb: {  	s2 =	smul.u32 $0x300, s3  }
0xcc: {  	[tilespmem:s7], [sflag:$0x2] =	stream.linear.gather @!p2 [hbm4b:s10+s15], $0x40, $0x38;
	[tilespmem:$0x1DDC8] =	vst v63  }
.Ltmp13:
0xcd: {  	_ = 	snop;
	(pc) =	sbr.rel .LBB2_18-.Ltmp13, $4  }
0xce: {  	s15 =	simm.s32 $0x2;
	s2 =	sshrl.u32 s2, $0x2  }
0xcf: {  	_ =	swait.ge [sflag:s15], s2  }
0xd0: {  	s5 =	simm.s32 $0x0;
	s2 =	ssub.s32 $0x0, s2;
	[sflag:s15] =	ssyncset.done $0x0  }
0xd1: {  	s12 =	smov.u32 s8;
	s14 =	simm.s32 $0xC;
	[sflag:s15] =	ssyncadd.s32 s2  }
.LBB2_19:
0xd2: {  	v1 =	vld [tilespmem:s30+$0xFFFFFFA0];
	_ =	sdelay $0x4  }
0xd3: {  	[tilespmem:s2+$0x188] =	vst.add.f32.msk $0xffff, v1  }
0xd4: {  	v1 =	vld [tilespmem:s30+$0xFFFFFFB0];
	_ =	sdelay $0x4  }
0xd5: {  	[tilespmem:s2+$0x198] =	vst.add.f32.msk $0xffff, v1  }
0xd6: {  	v1 =	vld [tilespmem:s30+$0xFFFFFFC0];
	_ =	sdelay $0x4  }
0xd7: {  	[tilespmem:s2+$0x1A8] =	vst.add.f32.msk $0xffff, v1  }
0xd8: {  	v1 =	vld [tilespmem:s30+$0xFFFFFFD0];
	_ =	sdelay $0x4  }
0xd9: {  	[tilespmem:s2+$0x1B8] =	vst.add.f32.msk $0xffff, v1  }
0xda: {  	v1 =	vld [tilespmem:s30+$0xFFFFFFE0];
	_ =	sdelay $0x4  }
0xdb: {  	[tilespmem:s2+$0x1C8] =	vst.add.f32.msk $0xffff, v1  }
0xdc: {  	v1 =	vld [tilespmem:s30+$0xFFFFFFF0];
	_ =	sdelay $0x4  }
0xdd: {  	[tilespmem:s2+$0x1D8] =	vst.add.f32.msk $0xffff, v1  }
0xde: {  	v1 =	vld [tilespmem:s30+$0x0];
	_ =	sdelay $0x4  }
0xdf: {  	[tilespmem:s2+$0x1E8] =	vst.add.f32.msk $0xffff, v1  }
0xe0: {  	v1 =	vld [tilespmem:s30+$0x10];
	_ =	sdelay $0x4  }
0xe1: {  	[tilespmem:s2+$0x1F8] =	vst.add.f32.msk $0xffff, v1  }
0xe2: {  	v1 =	vld [tilespmem:s30+$0x20];
	_ =	sdelay $0x4  }
0xe3: {  	[tilespmem:s2+$0x208] =	vst.add.f32.msk $0xffff, v1  }
0xe4: {  	v1 =	vld [tilespmem:s30+$0x30];
	_ =	sdelay $0x4  }
0xe5: {  	[tilespmem:s2+$0x218] =	vst.add.f32.msk $0xffff, v1  }
0xe6: {  	v1 =	vld [tilespmem:s30+$0x40];
	_ =	sdelay $0x4  }
0xe7: {  	[tilespmem:s2+$0x228] =	vst.add.f32.msk $0xffff, v1  }
0xe8: {  	v1 =	vld [tilespmem:s30+$0x50];
	_ =	sdelay $0x4  }
0xe9: {  	[tilespmem:s2+$0x238] =	vst.add.f32.msk $0xffff, v1  }
.LBB2_23:
0xea: {  	s31 =	sadd.s32 $0x1, s31  }
0xeb: {  	p2 =	seq.s32 s31, $0x0  }
.Ltmp14:
0xec: {  	_ = 	snop;
	(pc) =	sbr.rel @p2 .LBB2_24-.Ltmp14, $2  }
0xed: {  	_ =	sdelay $0x2  }
0xee: {  	s26 =	sadd.s32 $0x1, s26;
	s30 =	sadd.s32 $0x100, s30;
	s28 =	smov.u32 s4  }
.LBB2_18:
0xef: {  	v1 =	vld.msk [tilespmem:s26+$0x0], $0x1;
	_ =	sdelay $0x4  }
0xf0: {  	(v2sf) =	vpush v1, $0x0;
	_ =	sdelay $0xe  }
0xf1: {  	s4 =	spop (v2sf)  }
0xf2: {  	p2 =	sne.s32 s28, s4  }
.Ltmp15:
0xf3: {  	_ = 	snop;
	(pc) =	sbr.rel @!p2 .LBB2_19-.Ltmp15, $3  }
0xf4: {  	_ = 	snop  }
0xf5: {  	s2 =	smul.u32 $0x300, s25;
	_ =	sdelay $0x1  }
0xf6: {  	s2 =	sshra.s32 s2, $0x2  }
0xf7: {  	p2 =	seq.s32 s28, s0  }
.Ltmp16:
0xf8: {  	_ = 	snop;
	(pc) =	sbr.rel @!p2 .LBB2_21-.Ltmp16, $1  }
0xf9: {  	_ =	sdelay $0x3  }
.Ltmp17:
0xfa: {  	s2 =	sadd.s32 $0x188, s2;
	(pc) =	sbr.rel .LBB2_22-.Ltmp17, $4  }
0xfb: {  	[spmem:s16] =	stream.linear.scatter [tilespmem:s2], [sflag:$0x1], $0xC0, $0x38;
	[tilespmem:$0x1DDC8] =	vst v63  }
0xfc: {  	_ =	swait.ge [sflag:s18], $0xC0  }
0xfd: {  	[sflag:s18] =	ssyncset.done $0x0  }
0xfe: {  	[sflag:s18] =	ssyncadd.s32 $0xFFFFFF40  }
.LBB2_21:
0xff: {  	s3 =	smul.u32 $0x300, s29;
	_ =	sdelay $0x1  }
0x100: {  	s3 =	sshra.s32 s3, $0x2  }
0x101: {  	v1 =	vld [tilespmem:s3+$0x6248];
	_ =	sdelay $0x4  }
0x102: {  	[tilespmem:s2+$0x188] =	vst.add.f32.msk $0xffff, v1  }
0x103: {  	v1 =	vld [tilespmem:s3+$0x6258];
	_ =	sdelay $0x4  }
0x104: {  	[tilespmem:s2+$0x198] =	vst.add.f32.msk $0xffff, v1  }
0x105: {  	v1 =	vld [tilespmem:s3+$0x6268];
	_ =	sdelay $0x4  }
0x106: {  	[tilespmem:s2+$0x1A8] =	vst.add.f32.msk $0xffff, v1  }
0x107: {  	v1 =	vld [tilespmem:s3+$0x6278];
	_ =	sdelay $0x4  }
0x108: {  	[tilespmem:s2+$0x1B8] =	vst.add.f32.msk $0xffff, v1  }
0x109: {  	v1 =	vld [tilespmem:s3+$0x6288];
	_ =	sdelay $0x4  }
0x10a: {  	[tilespmem:s2+$0x1C8] =	vst.add.f32.msk $0xffff, v1  }
0x10b: {  	v1 =	vld [tilespmem:s3+$0x6298];
	_ =	sdelay $0x4  }
0x10c: {  	[tilespmem:s2+$0x1D8] =	vst.add.f32.msk $0xffff, v1  }
0x10d: {  	v1 =	vld [tilespmem:s3+$0x62A8];
	_ =	sdelay $0x4  }
0x10e: {  	[tilespmem:s2+$0x1E8] =	vst.add.f32.msk $0xffff, v1  }
0x10f: {  	v1 =	vld [tilespmem:s3+$0x62B8];
	_ =	sdelay $0x4  }
0x110: {  	[tilespmem:s2+$0x1F8] =	vst.add.f32.msk $0xffff, v1  }
0x111: {  	v1 =	vld [tilespmem:s3+$0x62C8];
	_ =	sdelay $0x4  }
0x112: {  	[tilespmem:s2+$0x208] =	vst.add.f32.msk $0xffff, v1  }
0x113: {  	v1 =	vld [tilespmem:s3+$0x62D8];
	_ =	sdelay $0x4  }
0x114: {  	[tilespmem:s2+$0x218] =	vst.add.f32.msk $0xffff, v1  }
0x115: {  	v1 =	vld [tilespmem:s3+$0x62E8];
	_ =	sdelay $0x4  }
0x116: {  	[tilespmem:s2+$0x228] =	vst.add.f32.msk $0xffff, v1  }
0x117: {  	v1 =	vld [tilespmem:s3+$0x62F8];
	_ =	sdelay $0x2  }
0x118: {  	p2 =	sgt.u32 s28, $0x186978  }
0x119: {  	s3 =	sand.u32 @!p2 $0x1FFFF8, s28  }
0x11a: {  	s7 =	sadd.s32 $0x188, s2;
	s10 =	sand.u32 @!p2 $0x7, s28;
	s3 =	sadd.s32 @!p2 s1, s3;
	[tilespmem:s2+$0x238] =	vst.add.f32.msk $0xffff, v1  }
0x11b: {  	[hbm4b:s3+s10] =	stream.linear.scatter @!p2 [tilespmem:s7], [sflag:$0xC], $0x80, $0x38;
	[tilespmem:$0x1DDC8] =	vst v63  }
0x11c: {  	s3 =	sadd.s32 @!p2 $0x80, s28  }
0x11d: {  	s3 =	sand.u32 @!p2 $0x3FFFF8, s3  }
0x11e: {  	s2 =	sadd.s32 $0x208, s2;
	s3 =	sadd.s32 @!p2 s1, s3  }
0x11f: {  	[hbm4b:s3+s10] =	stream.linear.scatter @!p2 [tilespmem:s2], [sflag:$0xC], $0x40, $0x38;
	[tilespmem:$0x1DDC8] =	vst v63  }
0x120: {  	s2 =	simm.s32 $0x0  }
0x121: {  	s2 =	simm.s32 @!p2 $0x300  }
0x122: {  	s5 =	sadd.s32 s2, s5  }
.LBB2_22:
0x123: {  	s2 =	sadd.s32 $0x1, s25;
	v1 =	vld [tilespmem:s30+$0xFFFFFFA0]  }
0x124: {  	s25 =	sand.u32 $0x7F, s2  }
0x125: {  	s2 =	smul.u32 $0x300, s25;
	_ =	sdelay $0x1  }
0x126: {  	s2 =	sshrl.u32 s2, $0x2  }
0x127: {  	[tilespmem:s2+$0x188] =	vst v1  }
0x128: {  	v1 =	vld [tilespmem:s30+$0xFFFFFFB0];
	_ =	sdelay $0x4  }
0x129: {  	[tilespmem:s2+$0x198] =	vst v1  }
0x12a: {  	v1 =	vld [tilespmem:s30+$0xFFFFFFC0];
	_ =	sdelay $0x4  }
0x12b: {  	[tilespmem:s2+$0x1A8] =	vst v1  }
0x12c: {  	v1 =	vld [tilespmem:s30+$0xFFFFFFD0];
	_ =	sdelay $0x4  }
0x12d: {  	[tilespmem:s2+$0x1B8] =	vst v1  }
0x12e: {  	v1 =	vld [tilespmem:s30+$0xFFFFFFE0];
	_ =	sdelay $0x4  }
0x12f: {  	[tilespmem:s2+$0x1C8] =	vst v1  }
0x130: {  	v1 =	vld [tilespmem:s30+$0xFFFFFFF0];
	_ =	sdelay $0x4  }
0x131: {  	[tilespmem:s2+$0x1D8] =	vst v1  }
0x132: {  	v1 =	vld [tilespmem:s30+$0x0];
	_ =	sdelay $0x4  }
0x133: {  	[tilespmem:s2+$0x1E8] =	vst v1  }
0x134: {  	v1 =	vld [tilespmem:s30+$0x10];
	_ =	sdelay $0x4  }
0x135: {  	[tilespmem:s2+$0x1F8] =	vst v1  }
0x136: {  	v1 =	vld [tilespmem:s30+$0x20];
	_ =	sdelay $0x4  }
0x137: {  	[tilespmem:s2+$0x208] =	vst v1  }
0x138: {  	v1 =	vld [tilespmem:s30+$0x30];
	_ =	sdelay $0x4  }
0x139: {  	[tilespmem:s2+$0x218] =	vst v1  }
0x13a: {  	v1 =	vld [tilespmem:s30+$0x40];
	_ =	sdelay $0x4  }
0x13b: {  	[tilespmem:s2+$0x228] =	vst v1  }
0x13c: {  	v1 =	vld [tilespmem:s30+$0x50]  }
.Ltmp18:
0x13d: {  	_ = 	snop;
	(pc) =	sbr.rel .LBB2_23-.Ltmp18, $2  }
0x13e: {  	_ =	sdelay $0x2  }
0x13f: {  	s29 =	sadd.s32 $0x1, s29;
	[tilespmem:s2+$0x238] =	vst v1  }
.LBB2_25:
.Ltmp19:
0x140: {  	(pc) =	sbr.rel .LBB2_26-.Ltmp19, $4  }
0x141: {  	_ = 	snop  }
0x142: {  	s2 =	simm.s32 $0x2  }
0x143: {  	_ =	swait.ge [sflag:s2], $0x0  }
0x144: {  	s4 =	smov.u32 s28;
	[sflag:s2] =	ssyncset.done $0x0;
	s2 =	simm.s32 $0x0  }
.LBB2_28:
0x145: {  	_ =	sfence.sel $0x180000  }
0x146: {  	s0 =	simm.s32 $0x9;
	[bflag:$0x0] =	sbarrier.arrive $0xFFFF  }
0x147: {  	s24 =	simm.s32 $0xA;
	[sflag:s0] =	ssyncpa.u1 $0x1  }
0x148: {  	s25 =	simm.s32 $0xB;
	[sflag:s24] =	ssyncpa.u1 $0x1  }
0x149: {  	s26 =	simm.s32 $0x2;
	[sflag:s25] =	ssyncpa.u1 $0x1  }
0x14a: {  	[sflag:s26] =	ssyncpa.u1 $0x1  }
0x14b: {  	v0 =	vld [tilespmem:$0xC308];
	_ =	sdelay $0x4  }
0x14c: {  	(v2sf) =	vpush v0, $0x0  }
0x14d: {  	(v2sf) =	vpush v0, $0x1  }
0x14e: {  	(v2sf) =	vpush v0, $0x2;
	_ =	sdelay $0xc  }
0x14f: {  	s0 =	spop (v2sf)  }
0x150: {  	s2 =	spop (v2sf)  }
0x151: {  	s3 =	smov.u32 s0;
	p0 =	sne.s32 s0, s2;
	s4 =	spop (v2sf)  }
0x152: {  	s3 =	simm.s32 @!p0 $0xFFFFFFFF;
	p0 =	seq.s32 s4, $0xFFFFFFFF  }
0x153: {  	v2 =	vimm.s32 $0x1;
	v3 =	vlaneseq.u32;
	v1 =	vmov s3;
	p1 =	sne.s32 @!p0 s0, s2  }
0x154: {  	s15 =	stileid.u32;
	v0 =	vperm.xlane v0, v2;
	s0 =	simm.s32 @!p0 $0x1;
	v1 =	vperm.xlane v1, v3;
	p1 =	por !p1, p0  }
0x155: {  	vm0 =	vcmask $0x3F04;
	s3 =	sshll.u32 s15, $0x1;
	s2 =	smul.u32 @!p0 $0x300, s4;
	s0 =	simm.s32 @p1 $0x0  }
0x156: {  	s6 =	simm.s32 $0xC308;
	v0 =	vsel vm0, v1, v0;
	s0 =	sor.u32 @!p0 s0, s3  }
0x157: {  	s5 =	sor.u32 $0x1800, s3;
	s2 =	sshra.s32 @!p0 s2, $0x2;
	[tilespmem:$0xC308] =	vst v0;
	s0 =	smul.u32 @!p0 $0x300, s0  }
0x158: {  	[spmem:s5] =	stream.linear.scatter [tilespmem:s6], [sflag:$0x1], $0x2, $0x38;
	[tilespmem:$0x1DDC8] =	vst v63  }
0x159: {  	s2 =	sadd.s32 @!p0 $0x188, s2;
	s0 =	sshrl.u32 @!p0 s0, $0x2  }
0x15a: {  	[spmem:s0] =	stream.linear.scatter @!p0 [tilespmem:s2], [sflag:$0x1], $0xC0, $0x38;
	[tilespmem:$0x1DDC8] =	vst v63  }
0x15b: {  	s0 =	simm.s32 @!p0 $0xC2  }
0x15c: {  	s28 =	simm.s32 $0x1;
	s0 =	simm.s32 @p0 $0x2  }
0x15d: {  	_ =	swait.ge [sflag:s28], s0  }
0x15e: {  	s0 =	ssub.s32 $0x0, s0;
	[sflag:s28] =	ssyncset.done $0x0  }
0x15f: {  	p0 =	sne.s32 s15, $0x0;
	[sflag:s28] =	ssyncadd.s32 s0  }
.Ltmp20:
0x160: {  	_ =	sfence.stream.spmem;
	(pc) =	sbr.rel @p0 .LBB2_45-.Ltmp20, $4  }
0x161: {  	s29 =	simm.s32 $0x3;
	[bflag:$0x0] =	sbarrier.arrive $0xFFFF  }
0x162: {  	s30 =	simm.s32 $0x4;
	[sflag:s29] =	ssyncpa.u1 $0x1  }
0x163: {  	s31 =	simm.s32 $0x3C;
	[sflag:s30] =	ssyncpa.u1 $0x1  }
0x164: {  	s14 =	rddreg [dreg:$0x6];
	[sflag:s31] =	ssyncpa.u1 $0x1  }
0x165: {  	_ =	sfence.stream.spmem;
	s0 =	simm.s32 $0x5  }
0x166: {  	s2 =	simm.s32 $0x1800;
	s3 =	simm.s32 $0xC318;
	[sflag:s0] =	ssyncpa.u1 $0x0  }
0x167: {  	[tilespmem:s3], [sflag:$0x5] =	stream.linear.gather [spmem:s2], $0x20, $0x38;
	[tilespmem:$0x1DDC8] =	vst v63  }
0x168: {  	s26 =	simm.s32 $0x0;
	s28 =	simm.s32 $0xC338  }
0x169: {  	[tilespmem:s28], [sflag:$0x5] =	stream.linear.gather [spmem:s26], $0x1800, $0x38;
	[tilespmem:$0x1DDC8] =	vst v63  }
0x16a: {  	_ =	swait.ge [sflag:s0], $0x1820  }
0x16b: {  	[sflag:s0] =	ssyncset.done $0x0  }
0x16c: {  	s29 =	simm.s32 $0x0;
	[sflag:s0] =	ssyncadd.s32 $0xFFFFE7E0  }
0x16d: {  	v0 =	vld.msk [tilespmem:s29+$0xC318], $0x1;
	_ =	sdelay $0x1  }
0x16e: {  	s30 =	simm.s32 $0x1  }
0x16f: {  	v1 =	vld.msk [tilespmem:s30+$0xC318], $0x1;
	_ =	sdelay $0x1  }
0x170: {  	(v2sf) =	vpush v0, $0x0;
	_ =	sdelay $0x2  }
0x171: {  	(v2sf) =	vpush v1, $0x0;
	_ =	sdelay $0x2  }
0x172: {  	s31 =	simm.s32 $0x2  }
0x173: {  	v0 =	vld.msk [tilespmem:s31+$0xC318], $0x1;
	_ =	sdelay $0x2  }
0x174: {  	s2 =	simm.s32 $0xFFFFFFFF;
	s3 =	simm.s32 $0xFFFFFFFF;
	s0 =	simm.s32 $0xC  }
.LBB2_30:
0x175: {  	s4 =	smov.u32 s3;
	s5 =	smov.u32 s2  }
0x176: {  	s2 =	sshra.s32 s0, $0x2;
	p1 =	sne.s32 s0, $0x7C;
	s0 =	sadd.s32 $0x4, s0;
	(v2sf) =	vpush v0, $0x0  }
0x177: {  	v0 =	vld.msk [tilespmem:s2+$0xC318], $0x1  }
.Ltmp21:
0x178: {  	(pc) =	sbr.rel @p1 .LBB2_30-.Ltmp21, $4  }
0x179: {  	s3 =	spop (v2sf)  }
0x17a: {  	p2 =	sne.s32 s5, $0xFFFFFFFF;
	s2 =	smov.u32 s3  }
0x17b: {  	p3 =	seq.s32 s3, $0xFFFFFFFF;
	s2 =	smov.u32 @p2 s5  }
0x17c: {  	s3 =	smov.u32 @p3 s4;
	s2 =	smov.u32 @p3 s5  }
0x17d: {  	(v2sf) =	vpush v0, $0x0;
	_ =	sdelay $0x8  }
0x17e: {  	s0 =	spop (v2sf)  }
0x17f: {  	p1 =	sne.s32 s2, $0xFFFFFFFF;
	s9 =	simm.s32 $0x6;
	s4 =	smov.u32 s0  }
0x180: {  	s6 =	simm.s32 $0x0;
	p2 =	seq.s32 s0, $0xFFFFFFFF;
	s4 =	smov.u32 @p1 s2  }
0x181: {  	s10 =	simm.s32 $0xC248;
	s4 =	smov.u32 @p2 s2;
	s2 =	spop (v2sf)  }
0x182: {  	s0 =	smov.u32 @p2 s3;
	p1 =	sne.s32 s4, $0xFFFFFFFF;
	s5 =	smov.u32 s2  }
.Ltmp22:
0x183: {  	p2 =	seq.s32 s2, $0xFFFFFFFF;
	s5 =	smov.u32 @p1 s4;
	(pc) =	sbr.rel .LBB2_32-.Ltmp22, $4  }
0x184: {  	s11 =	simm.s32 $0xC2C8;
	s5 =	smov.u32 @p2 s4;
	s7 =	spop (v2sf)  }
0x185: {  	s12 =	simm.s32 $0x0;
	p1 =	sne.s32 s5, $0xFFFFFFFF;
	s8 =	smov.u32 s7  }
0x186: {  	s2 =	smov.u32 @p2 s0;
	p2 =	seq.s32 s7, $0xFFFFFFFF;
	s8 =	smov.u32 @p1 s5  }
0x187: {  	[sflag:s9] =	ssyncpa.u1 $0x0;
	s7 =	smov.u32 @p2 s2;
	s8 =	smov.u32 @p2 s5  }
.LBB2_38:
0x188: {  	p1 =	sgt.u32 s0, $0x186978  }
0x189: {  	p2 =	seq.s32 @!p1 s0, s8  }
0x18a: {  	p1 =	por p1, p2  }
0x18b: {  	p2 =	sne.s32 @!p1 s0, s7  }
0x18c: {  	p1 =	por p1, !p2  }
0x18d: {  	s0 =	smul.u32 @p1 $0x300, s12;
	_ =	sdelay $0x1  }
0x18e: {  	s2 =	sand.u32 @!p1 $0x1FFFF8, s0;
	s3 =	sand.u32 @!p1 $0x7, s0;
	s0 =	sadd.s32 @!p1 $0x80, s0  }
0x18f: {  	s2 =	sadd.s32 @!p1 s1, s2;
	s0 =	sand.u32 @!p1 $0x3FFFF8, s0  }
0x190: {  	[tilespmem:s10], [sflag:$0x6] =	stream.linear.gather @!p1 [hbm4b:s2+s3], $0x80, $0x38;
	[tilespmem:$0x1DDC8] =	vst v63  }
0x191: {  	s0 =	sadd.s32 @!p1 s1, s0  }
0x192: {  	[tilespmem:s11], [sflag:$0x6] =	stream.linear.gather @!p1 [hbm4b:s0+s3], $0x40, $0x38;
	[tilespmem:$0x1DDC8] =	vst v63  }
0x193: {  	_ =	swait.ge @!p1 [sflag:s9], $0xC0  }
0x194: {  	[sflag:s9] =	ssyncset.done @!p1 $0x0  }
0x195: {  	[sflag:s9] =	ssyncadd.s32 @!p1 $0xFFFFFF40  }
0x196: {  	v1 =	vld @!p1 [tilespmem:$0xC248];
	_ =	sdelay $0x1  }
0x197: {  	s0 =	smul.u32 @!p1 $0x300, s12;
	_ =	sdelay $0x1  }
0x198: {  	s2 =	sshra.s32 @!p1 s0, $0x2  }
0x199: {  	[tilespmem:s2+$0xC338] =	vst.add.f32.msk @!p1 $0xffff, v1  }
0x19a: {  	v1 =	vld @!p1 [tilespmem:$0xC258];
	_ =	sdelay $0x4  }
0x19b: {  	[tilespmem:s2+$0xC348] =	vst.add.f32.msk @!p1 $0xffff, v1  }
0x19c: {  	v1 =	vld @!p1 [tilespmem:$0xC268];
	_ =	sdelay $0x4  }
0x19d: {  	[tilespmem:s2+$0xC358] =	vst.add.f32.msk @!p1 $0xffff, v1  }
0x19e: {  	v1 =	vld @!p1 [tilespmem:$0xC278];
	_ =	sdelay $0x4  }
0x19f: {  	[tilespmem:s2+$0xC368] =	vst.add.f32.msk @!p1 $0xffff, v1  }
0x1a0: {  	v1 =	vld @!p1 [tilespmem:$0xC288];
	_ =	sdelay $0x4  }
0x1a1: {  	[tilespmem:s2+$0xC378] =	vst.add.f32.msk @!p1 $0xffff, v1  }
0x1a2: {  	v1 =	vld @!p1 [tilespmem:$0xC298];
	_ =	sdelay $0x4  }
0x1a3: {  	[tilespmem:s2+$0xC388] =	vst.add.f32.msk @!p1 $0xffff, v1  }
0x1a4: {  	v1 =	vld @!p1 [tilespmem:$0xC2A8];
	_ =	sdelay $0x4  }
0x1a5: {  	[tilespmem:s2+$0xC398] =	vst.add.f32.msk @!p1 $0xffff, v1  }
0x1a6: {  	v1 =	vld @!p1 [tilespmem:$0xC2B8];
	_ =	sdelay $0x4  }
0x1a7: {  	[tilespmem:s2+$0xC3A8] =	vst.add.f32.msk @!p1 $0xffff, v1  }
0x1a8: {  	v1 =	vld @!p1 [tilespmem:$0xC2C8];
	_ =	sdelay $0x4  }
0x1a9: {  	[tilespmem:s2+$0xC3B8] =	vst.add.f32.msk @!p1 $0xffff, v1  }
0x1aa: {  	v1 =	vld @!p1 [tilespmem:$0xC2D8];
	_ =	sdelay $0x4  }
0x1ab: {  	[tilespmem:s2+$0xC3C8] =	vst.add.f32.msk @!p1 $0xffff, v1  }
0x1ac: {  	v1 =	vld @!p1 [tilespmem:$0xC2E8];
	_ =	sdelay $0x4  }
0x1ad: {  	[tilespmem:s2+$0xC3D8] =	vst.add.f32.msk @!p1 $0xffff, v1  }
0x1ae: {  	v1 =	vld @!p1 [tilespmem:$0xC2F8];
	_ =	sdelay $0x4  }
0x1af: {  	[tilespmem:s2+$0xC3E8] =	vst.add.f32.msk @!p1 $0xffff, v1  }
0x1b0: {  	s0 =	sshra.s32 s0, $0x2;
	[tilespmem:s6+$0xC318] =	vst.msk $0x1, v0  }
0x1b1: {  	v0 =	vld [tilespmem:s0+$0xC338];
	_ =	sdelay $0x1  }
0x1b2: {  	s31 =	smul.u32 $0x300, s6;
	_ =	sdelay $0x1  }
0x1b3: {  	s2 =	sshra.s32 s31, $0x2  }
0x1b4: {  	[tilespmem:s2+$0xC338] =	vst v0  }
0x1b5: {  	v0 =	vld [tilespmem:s0+$0xC348];
	_ =	sdelay $0x4  }
0x1b6: {  	[tilespmem:s2+$0xC348] =	vst v0  }
0x1b7: {  	v0 =	vld [tilespmem:s0+$0xC358];
	_ =	sdelay $0x4  }
0x1b8: {  	[tilespmem:s2+$0xC358] =	vst v0  }
0x1b9: {  	v0 =	vld [tilespmem:s0+$0xC368];
	_ =	sdelay $0x4  }
0x1ba: {  	[tilespmem:s2+$0xC368] =	vst v0  }
0x1bb: {  	v0 =	vld [tilespmem:s0+$0xC378];
	_ =	sdelay $0x4  }
0x1bc: {  	[tilespmem:s2+$0xC378] =	vst v0  }
0x1bd: {  	v0 =	vld [tilespmem:s0+$0xC388];
	_ =	sdelay $0x4  }
0x1be: {  	[tilespmem:s2+$0xC388] =	vst v0  }
0x1bf: {  	v0 =	vld [tilespmem:s0+$0xC398];
	_ =	sdelay $0x4  }
0x1c0: {  	[tilespmem:s2+$0xC398] =	vst v0  }
0x1c1: {  	v0 =	vld [tilespmem:s0+$0xC3A8];
	_ =	sdelay $0x4  }
0x1c2: {  	[tilespmem:s2+$0xC3A8] =	vst v0  }
0x1c3: {  	v0 =	vld [tilespmem:s0+$0xC3B8];
	_ =	sdelay $0x4  }
0x1c4: {  	[tilespmem:s2+$0xC3B8] =	vst v0  }
0x1c5: {  	v0 =	vld [tilespmem:s0+$0xC3C8];
	_ =	sdelay $0x4  }
0x1c6: {  	[tilespmem:s2+$0xC3C8] =	vst v0  }
0x1c7: {  	v0 =	vld [tilespmem:s0+$0xC3D8];
	_ =	sdelay $0x4  }
0x1c8: {  	[tilespmem:s2+$0xC3D8] =	vst v0  }
0x1c9: {  	v0 =	vld [tilespmem:s0+$0xC3E8];
	_ =	sdelay $0x4  }
0x1ca: {  	s6 =	sadd.s32 $0x1, s6;
	[tilespmem:s2+$0xC3E8] =	vst v0  }
.LBB2_39:
0x1cb: {  	s12 =	sadd.s32 $0x1, s12  }
0x1cc: {  	p1 =	sne.s32 s12, $0x20  }
.Ltmp23:
0x1cd: {  	_ = 	snop;
	(pc) =	sbr.rel @!p1 .LBB2_40-.Ltmp23, $1  }
0x1ce: {  	_ =	sdelay $0x3  }
.LBB2_32:
0x1cf: {  	v0 =	vld.msk [tilespmem:s12+$0xC318], $0x1;
	_ =	sdelay $0x4  }
0x1d0: {  	(v2sf) =	vpush v0, $0x0;
	_ =	sdelay $0xe  }
0x1d1: {  	s0 =	spop (v2sf)  }
0x1d2: {  	p1 =	seq.s32 s0, $0xFFFFFFFF  }
.Ltmp24:
0x1d3: {  	_ = 	snop;
	(pc) =	sbr.rel @p1 .LBB2_39-.Ltmp24, $1  }
0x1d4: {  	_ =	sdelay $0x3  }
0x1d5: {  	p1 =	slt.s32 s6, $0x1  }
.Ltmp25:
0x1d6: {  	_ = 	snop;
	(pc) =	sbr.rel @p1 .LBB2_38-.Ltmp25, $1  }
0x1d7: {  	_ =	sdelay $0x3  }
0x1d8: {  	s2 =	simm.s32 $0xC318;
	p1 =	por $0x0, $0x0  }
0x1d9: {  	v1 =	vld.msk @!p1 [tilespmem:s2+$0x0], $0x1;
	_ =	sdelay $0x4  }
0x1da: {  	(v2sf) =	vpush @!p1 v1, $0x0;
	_ =	sdelay $0xd  }
0x1db: {  	p3 =	sne.s32 s6, $0x1  }
.Ltmp26:
0x1dc: {  	s3 =	spop @!p1 (v2sf);
	(pc) =	sbr.rel @!p3 .LBB2_36-.Ltmp26, $4  }
0x1dd: {  	p2 =	seq.s32 @!p1 s0, s3  }
0x1de: {  	s4 =	simm.s32 $0x0;
	p2 =	por !p2, p1  }
0x1df: {  	s3 =	simm.s32 $0xFFFFFFFF;
	s4 =	simm.s32 @p2 $0xFFFFFFFF  }
0x1e0: {  	s5 =	simm.s32 $0x1;
	s4 =	smov.u32 @p1 s3  }
.LBB2_35:
0x1e1: {  	s3 =	smov.u32 s4;
	p1 =	sne.s32 s4, $0xFFFFFFFF  }
0x1e2: {  	s2 =	sadd.s32 $0x1, s2;
	s4 =	smov.u32 s5;
	s5 =	sadd.s32 $0x1, s5  }
0x1e3: {  	p2 =	sne.s32 s6, s5;
	v1 =	vld.msk @!p1 [tilespmem:s2+$0x0], $0x1;
	_ =	sdelay $0x4  }
0x1e4: {  	(v2sf) =	vpush @!p1 v1, $0x0;
	_ =	sdelay $0xe  }
.Ltmp27:
0x1e5: {  	s13 =	spop @!p1 (v2sf);
	(pc) =	sbr.rel @p2 .LBB2_35-.Ltmp27, $4  }
0x1e6: {  	p3 =	seq.s32 @!p1 s0, s13  }
0x1e7: {  	p3 =	por !p3, p1  }
0x1e8: {  	s4 =	simm.s32 @p3 $0xFFFFFFFF  }
0x1e9: {  	s4 =	smov.u32 @p1 s3  }
.LBB2_36:
0x1ea: {  	p1 =	seq.s32 s4, $0xFFFFFFFF  }
.Ltmp28:
0x1eb: {  	_ = 	snop;
	(pc) =	sbr.rel @p1 .LBB2_38-.Ltmp28, $1  }
0x1ec: {  	_ =	sdelay $0x3  }
0x1ed: {  	s0 =	smul.u32 $0x300, s12;
	_ =	sdelay $0x1  }
0x1ee: {  	s0 =	sshra.s32 s0, $0x2  }
0x1ef: {  	v0 =	vld [tilespmem:s0+$0xC338];
	_ =	sdelay $0x1  }
0x1f0: {  	s2 =	smul.u32 $0x300, s4;
	_ =	sdelay $0x1  }
0x1f1: {  	s2 =	sshra.s32 s2, $0x2  }
0x1f2: {  	[tilespmem:s2+$0xC338] =	vst.add.f32.msk $0xffff, v0  }
0x1f3: {  	v0 =	vld [tilespmem:s0+$0xC348];
	_ =	sdelay $0x4  }
0x1f4: {  	[tilespmem:s2+$0xC348] =	vst.add.f32.msk $0xffff, v0  }
0x1f5: {  	v0 =	vld [tilespmem:s0+$0xC358];
	_ =	sdelay $0x4  }
0x1f6: {  	[tilespmem:s2+$0xC358] =	vst.add.f32.msk $0xffff, v0  }
0x1f7: {  	v0 =	vld [tilespmem:s0+$0xC368];
	_ =	sdelay $0x4  }
0x1f8: {  	[tilespmem:s2+$0xC368] =	vst.add.f32.msk $0xffff, v0  }
0x1f9: {  	v0 =	vld [tilespmem:s0+$0xC378];
	_ =	sdelay $0x4  }
0x1fa: {  	[tilespmem:s2+$0xC378] =	vst.add.f32.msk $0xffff, v0  }
0x1fb: {  	v0 =	vld [tilespmem:s0+$0xC388];
	_ =	sdelay $0x4  }
0x1fc: {  	[tilespmem:s2+$0xC388] =	vst.add.f32.msk $0xffff, v0  }
0x1fd: {  	v0 =	vld [tilespmem:s0+$0xC398];
	_ =	sdelay $0x4  }
0x1fe: {  	[tilespmem:s2+$0xC398] =	vst.add.f32.msk $0xffff, v0  }
0x1ff: {  	v0 =	vld [tilespmem:s0+$0xC3A8];
	_ =	sdelay $0x4  }
0x200: {  	[tilespmem:s2+$0xC3A8] =	vst.add.f32.msk $0xffff, v0  }
0x201: {  	v0 =	vld [tilespmem:s0+$0xC3B8];
	_ =	sdelay $0x4  }
0x202: {  	[tilespmem:s2+$0xC3B8] =	vst.add.f32.msk $0xffff, v0  }
0x203: {  	v0 =	vld [tilespmem:s0+$0xC3C8];
	_ =	sdelay $0x4  }
0x204: {  	[tilespmem:s2+$0xC3C8] =	vst.add.f32.msk $0xffff, v0  }
0x205: {  	v0 =	vld [tilespmem:s0+$0xC3D8];
	_ =	sdelay $0x4  }
0x206: {  	[tilespmem:s2+$0xC3D8] =	vst.add.f32.msk $0xffff, v0  }
0x207: {  	v0 =	vld [tilespmem:s0+$0xC3E8]  }
.Ltmp29:
0x208: {  	_ = 	snop;
	(pc) =	sbr.rel .LBB2_39-.Ltmp29, $2  }
0x209: {  	_ =	sdelay $0x2  }
0x20a: {  	[tilespmem:s2+$0xC3E8] =	vst.add.f32.msk $0xffff, v0  }
.LBB2_40:
0x20b: {  	s0 =	simm.s32 $0x6;
	p1 =	seq.s32 s6, $0x0  }
0x20c: {  	[sflag:s0] =	ssyncpa.u1 $0x1;
	v0 =	vimm.s32 @p1 $0xFFFFFFFF  }
0x20d: {  	s0 =	sadd.s32 $0xFFFFFFFF, s6;
	[tilespmem:$0xDB38] =	vst @p1 v0  }
0x20e: {  	v0 =	vld.msk @!p1 [tilespmem:s0+$0xC318], $0x1;
	_ =	sdelay $0x1  }
0x20f: {  	v1 =	vld.msk @!p1 [tilespmem:$0xC318], $0x1;
	_ =	sdelay $0x2  }
0x210: {  	p2 =	seq.s32 @!p1 s0, $0x0;
	v0 =	vbroadcast @!p1 v0, $0x0  }
0x211: {  	vm0 =	vmmov @!p1 $0x1;
	p3 =	por !p2, p1  }
0x212: {  	p2 =	sne.s32 @!p1 s8, s7;
	v1 =	vnsel @!p1 vm0, $0xFFFFFFFF, v1;
	vm0 =	vcmask @!p1 $0x308;
	v0 =	vpsel !p3, $0xFFFFFFFF, v0  }
0x213: {  	p3 =	por !p2, p1;
	v0 =	vsel @!p1 vm0, v1, v0  }
0x214: {  	s2 =	simm.s32 @!p1 $0xC338;
	s3 =	simm.s32 @!p1 $0x0;
	s4 =	smul.u32 @!p3 $0x300, s0;
	[tilespmem:$0xDB38] =	vst @!p1 v0  }
0x215: {  	[spmem:s3] =	stream.linear.scatter @!p1 [tilespmem:s2], [sflag:$0x1], $0xC0, $0x38;
	[tilespmem:$0x1DDC8] =	vst v63  }
0x216: {  	s2 =	sshra.s32 @!p3 s4, $0x2  }
0x217: {  	s3 =	simm.s32 @!p3 $0xC0;
	s2 =	sadd.s32 @!p3 $0xC338, s2  }
0x218: {  	[spmem:s3] =	stream.linear.scatter @!p3 [tilespmem:s2], [sflag:$0x1], $0xC0, $0x38;
	[tilespmem:$0x1DDC8] =	vst v63  }
0x219: {  	s2 =	simm.s32 @!p3 $0x1  }
0x21a: {  	_ =	swait.ge @!p3 [sflag:s2], $0x180  }
0x21b: {  	p1 =	por p2, p1;
	[sflag:s2] =	ssyncset.done @!p3 $0x0  }
0x21c: {  	[sflag:s2] =	ssyncadd.s32 @!p3 $0xFFFFFE80;
	s2 =	simm.s32 @!p1 $0x1  }
0x21d: {  	_ =	swait.ge @!p1 [sflag:s2], $0xC0  }
0x21e: {  	s29 =	simm.s32 $0xDB38;
	[sflag:s2] =	ssyncset.done @!p1 $0x0  }
0x21f: {  	s30 =	simm.s32 $0x1800;
	s31 =	simm.s32 $0x1;
	[sflag:s2] =	ssyncadd.s32 @!p1 $0xFFFFFF40  }
0x220: {  	[spmem:s30] =	stream.linear.scatter [tilespmem:s29], [sflag:$0x1], $0x10, $0x38;
	[tilespmem:$0x1DDC8] =	vst v63  }
0x221: {  	_ =	swait.ge [sflag:s31], $0x10  }
0x222: {  	[sflag:s31] =	ssyncset.done $0x0  }
0x223: {  	p1 =	seq.s32 s14, $0x0;
	s9 =	rddreg [dreg:$0x3];
	[sflag:s31] =	ssyncadd.s32 $0xFFFFFFF0  }
0x224: {  	s3 =	sshll.u32 @p1 s9, $0xE;
	s8 =	rddreg [dreg:$0x4]  }
0x225: {  	s2 =	sadd.s32 @p1 $0x15C3C, s3;
	s3 =	sshll.u32 @p1 s8, $0x11  }
0x226: {  	_ =	sfence.stream.spmem;
	s2 =	sor.u32 @p1 s3, s2  }
0x227: {  	[sflag:s2] =	ssyncadd.remote.s32 @p1 $0x1;
	s2 =	simm.s32 @p1 $0x4  }
0x228: {  	s4 =	simm.s32 @!p1 $0x3C;
	s3 =	sand.u32 $0xFFFFFFFE, s9;
	_ =	swait.ge @p1 [sflag:s2], $0x32  }
0x229: {  	s5 =	simm.s32 @!p1 $0x0;
	s3 =	sadd.s32 @!p1 $0x4, s3;
	[sflag:s2] =	ssyncset.done @p1 $0x0  }
0x22a: {  	s7 =	simm.s32 @!p1 $0x180;
	[sflag:s2] =	ssyncadd.s32 @p1 $0xFFFFFFCE;
	s2 =	sshll.u32 @!p1 s3, $0x1A  }
0x22b: {  	s3 =	sshll.u32 @!p1 s3, $0xD;
	s2 =	sor.u32 @!p1 s2, s8;
	_ =	swait.eq @!p1 [sflag:s4], $0x1  }
0x22c: {  	s3 =	sor.u32 @!p1 $0x1C04, s3;
	s4 =	simm.s32 @!p1 $0x1C03;
	s2 =	sor.u32 @!p1 $0x80004000, s2  }
0x22d: {  	[spmem:s7], [sflag:s3] =	dma.general @!p1 [spmem:s5], [sflag:s4], length:$0x30, [dreg:$0x0], stride_count:$0x0, ici_dest:s2, dma_misc:DstOpCode:WRITE  }
0x22e: {  	p2 =	slt.s32 s0, $0x2;
	s5 =	simm.s32 @!p1 $0x300;
	s7 =	simm.s32 @!p1 $0x302  }
0x22f: {  	[spmem:s7], [sflag:s3] =	dma.general @!p1 [spmem:s5], [sflag:s4], length:$0x2, [dreg:$0x0], stride_count:$0x0, ici_dest:s2, dma_misc:DstOpCode:WRITE  }
.Ltmp30:
0x230: {  	s2 =	simm.s32 @!p1 $0x3;
	(pc) =	sbr.rel @p2 .LBB2_44-.Ltmp30, $4  }
0x231: {  	s3 =	sshll.u32 @!p1 s9, $0xE;
	_ =	swait.ge @!p1 [sflag:s2], $0x32  }
0x232: {  	s4 =	sshll.u32 @!p1 s8, $0x11;
	s3 =	sadd.s32 @!p1 $0x11C3C, s3;
	[sflag:s2] =	ssyncset.done @!p1 $0x0  }
0x233: {  	[sflag:s2] =	ssyncadd.s32 @!p1 $0xFFFFFFCE;
	s2 =	sor.u32 @!p1 s4, s3  }
0x234: {  	s0 =	simm.s32 $0x0;
	[sflag:s2] =	ssyncadd.remote.s32 @!p1 $0xFFFFFFFF  }
0x235: {  	s0 =	simm.s32 $0xC319  }
0x236: {  	v0 =	vld.msk [tilespmem:s0+$0x0], $0x1;
	_ =	sdelay $0x4  }
0x237: {  	(v2sf) =	vpush v0, $0x0;
	_ =	sdelay $0xd  }
0x238: {  	s31 =	sadd.s32 $0xFFFFFFFE, s6  }
0x239: {  	s5 =	simm.s32 $0x0;
	s0 =	sadd.s32 $0xFFFFFFFF, s31;
	s3 =	spop (v2sf)  }
0x23a: {  	s4 =	simm.s32 $0xC3F8;
	p1 =	sne.s32 s0, $0x0;
	p2 =	sgt.u32 s3, $0x186978  }
.Ltmp31:
0x23b: {  	s2 =	simm.s32 $0xC4B8;
	s6 =	sand.u32 @!p2 $0x1FFFF8, s3;
	(pc) =	sbr.rel @!p1 .LBB2_43-.Ltmp31, $4  }
0x23c: {  	s7 =	sadd.s32 @!p2 $0x80, s3;
	s3 =	sand.u32 @!p2 $0x7, s3;
	s5 =	simm.s32 @!p2 $0x300  }
0x23d: {  	s6 =	sadd.s32 @!p2 s1, s6;
	s7 =	sand.u32 @!p2 $0x3FFFF8, s7;
	s5 =	sadd.s32 $0x0, s5  }
0x23e: {  	[hbm4b:s6+s3] =	stream.linear.scatter @!p2 [tilespmem:s4], [sflag:$0x5], $0x80, $0x38;
	[tilespmem:$0x1DDC8] =	vst v63  }
0x23f: {  	s4 =	simm.s32 $0xC31A;
	s6 =	simm.s32 @!p2 $0xC478;
	s7 =	sadd.s32 @!p2 s1, s7  }
.LBB2_42:
0x240: {  	[hbm4b:s7+s3] =	stream.linear.scatter @!p2 [tilespmem:s6], [sflag:$0x5], $0x40, $0x38;
	[tilespmem:$0x1DDC8] =	vst v63  }
0x241: {  	s0 =	sadd.s32 $0xFFFFFFFF, s0;
	s6 =	smov.u32 s2;
	v0 =	vld.msk [tilespmem:s4+$0x0], $0x1  }
0x242: {  	p1 =	sne.s32 s0, $0x0;
	_ =	sdelay $0x3  }
0x243: {  	(v2sf) =	vpush v0, $0x0;
	_ =	sdelay $0xe  }
0x244: {  	s2 =	sadd.s32 $0xC0, s2;
	s8 =	simm.s32 $0x0;
	s3 =	spop (v2sf)  }
.Ltmp32:
0x245: {  	s4 =	sadd.s32 $0x1, s4;
	p2 =	sgt.u32 s3, $0x186978;
	(pc) =	sbr.rel @p1 .LBB2_42-.Ltmp32, $4  }
0x246: {  	s8 =	simm.s32 @!p2 $0x300;
	s7 =	sand.u32 @!p2 $0x1FFFF8, s3;
	s9 =	sadd.s32 @!p2 $0x80, s3  }
0x247: {  	s3 =	sand.u32 @!p2 $0x7, s3;
	s7 =	sadd.s32 @!p2 s1, s7;
	s9 =	sand.u32 @!p2 $0x3FFFF8, s9  }
0x248: {  	[hbm4b:s7+s3] =	stream.linear.scatter @!p2 [tilespmem:s6], [sflag:$0x5], $0x80, $0x38;
	[tilespmem:$0x1DDC8] =	vst v63  }
0x249: {  	s5 =	sadd.s32 s5, s8;
	s6 =	sadd.s32 @!p2 $0x80, s6;
	s7 =	sadd.s32 @!p2 s1, s9  }
.LBB2_43:
0x24a: {  	[hbm4b:s7+s3] =	stream.linear.scatter @!p2 [tilespmem:s6], [sflag:$0x5], $0x40, $0x38;
	[tilespmem:$0x1DDC8] =	vst v63  }
0x24b: {  	s0 =	sshrl.u32 s5, $0x2  }
.LBB2_44:
0x24c: {  	s2 =	simm.s32 $0x5  }
0x24d: {  	_ =	swait.ge [sflag:s2], s0  }
0x24e: {  	s31 =	ssub.s32 $0x0, s0;
	[sflag:s2] =	ssyncset.done $0x0  }
0x24f: {  	[sflag:s2] =	ssyncadd.s32 s31  }
0x250: {  	[sflag:s2] =	ssyncpa.u1 $0x1  }
.LBB2_45:
0x251: {  	s0 =	sor.u32 s14, s15  }
0x252: {  	p1 =	sne.s32 s0, $0x0  }
.Ltmp33:
0x253: {  	_ = 	snop;
	(pc) =	sbr.rel @p1 .LBB2_60-.Ltmp33, $3  }
0x254: {  	_ =	sdelay $0x1  }
0x255: {  	[bflag:$0x0] =	sbarrier.arrive $0xFFFF  }
0x256: {  	_ =	sfence  }
0x257: {  	s0 =	simm.s32 $0x7  }
0x258: {  	s2 =	simm.s32 $0x1800;
	s3 =	simm.s32 $0xC318;
	[sflag:s0] =	ssyncpa.u1 $0x0  }
0x259: {  	[tilespmem:s3], [sflag:$0x7] =	stream.linear.gather [spmem:s2], $0x20, $0x38;
	[tilespmem:$0x1DDC8] =	vst v63  }
0x25a: {  	s30 =	simm.s32 $0xC338;
	s2 =	simm.s32 $0x0  }
0x25b: {  	[tilespmem:s30], [sflag:$0x7] =	stream.linear.gather [spmem:s2], $0x1800, $0x38;
	[tilespmem:$0x1DDC8] =	vst v63  }
.Ltmp34:
0x25c: {  	_ = 	snop;
	(pc) =	sbr.rel .LBB2_47-.Ltmp34, $4  }
0x25d: {  	_ =	swait.ge [sflag:s0], $0x1820  }
0x25e: {  	[sflag:s0] =	ssyncset.done $0x0  }
0x25f: {  	s31 =	simm.s32 $0x8;
	[sflag:s0] =	ssyncadd.s32 $0xFFFFE7E0  }
0x260: {  	s3 =	simm.s32 $0x0;
	[sflag:s31] =	ssyncpa.u1 $0x0  }
.LBB2_53:
0x261: {  	p1 =	slt.u32 s0, $0x186979  }
0x262: {  	s4 =	sand.u32 @p1 $0x1FFFF8, s0;
	s5 =	sand.u32 @p1 $0x7, s0;
	s0 =	sadd.s32 @p1 $0x80, s0  }
0x263: {  	s6 =	simm.s32 @p1 $0xC248;
	s4 =	sadd.s32 @p1 s1, s4;
	s0 =	sand.u32 @p1 $0x3FFFF8, s0  }
0x264: {  	[tilespmem:s6], [sflag:$0x8] =	stream.linear.gather @p1 [hbm4b:s4+s5], $0x80, $0x38;
	[tilespmem:$0x1DDC8] =	vst v63  }
0x265: {  	s0 =	sadd.s32 @p1 s1, s0;
	s4 =	simm.s32 @p1 $0xC2C8  }
0x266: {  	[tilespmem:s4], [sflag:$0x8] =	stream.linear.gather @p1 [hbm4b:s0+s5], $0x40, $0x38;
	[tilespmem:$0x1DDC8] =	vst v63  }
0x267: {  	s0 =	simm.s32 @p1 $0x8  }
0x268: {  	_ =	swait.ge @p1 [sflag:s0], $0xC0  }
0x269: {  	[sflag:s0] =	ssyncset.done @p1 $0x0  }
0x26a: {  	[sflag:s0] =	ssyncadd.s32 @p1 $0xFFFFFF40  }
0x26b: {  	v1 =	vld @p1 [tilespmem:$0xC248];
	_ =	sdelay $0x1  }
0x26c: {  	s0 =	smul.u32 @p1 $0x300, s3;
	_ =	sdelay $0x1  }
0x26d: {  	s4 =	sshra.s32 @p1 s0, $0x2  }
0x26e: {  	[tilespmem:s4+$0xC338] =	vst.add.f32.msk @p1 $0xffff, v1  }
0x26f: {  	v1 =	vld @p1 [tilespmem:$0xC258];
	_ =	sdelay $0x4  }
0x270: {  	[tilespmem:s4+$0xC348] =	vst.add.f32.msk @p1 $0xffff, v1  }
0x271: {  	v1 =	vld @p1 [tilespmem:$0xC268];
	_ =	sdelay $0x4  }
0x272: {  	[tilespmem:s4+$0xC358] =	vst.add.f32.msk @p1 $0xffff, v1  }
0x273: {  	v1 =	vld @p1 [tilespmem:$0xC278];
	_ =	sdelay $0x4  }
0x274: {  	[tilespmem:s4+$0xC368] =	vst.add.f32.msk @p1 $0xffff, v1  }
0x275: {  	v1 =	vld @p1 [tilespmem:$0xC288];
	_ =	sdelay $0x4  }
0x276: {  	[tilespmem:s4+$0xC378] =	vst.add.f32.msk @p1 $0xffff, v1  }
0x277: {  	v1 =	vld @p1 [tilespmem:$0xC298];
	_ =	sdelay $0x4  }
0x278: {  	[tilespmem:s4+$0xC388] =	vst.add.f32.msk @p1 $0xffff, v1  }
0x279: {  	v1 =	vld @p1 [tilespmem:$0xC2A8];
	_ =	sdelay $0x4  }
0x27a: {  	[tilespmem:s4+$0xC398] =	vst.add.f32.msk @p1 $0xffff, v1  }
0x27b: {  	v1 =	vld @p1 [tilespmem:$0xC2B8];
	_ =	sdelay $0x4  }
0x27c: {  	[tilespmem:s4+$0xC3A8] =	vst.add.f32.msk @p1 $0xffff, v1  }
0x27d: {  	v1 =	vld @p1 [tilespmem:$0xC2C8];
	_ =	sdelay $0x4  }
0x27e: {  	[tilespmem:s4+$0xC3B8] =	vst.add.f32.msk @p1 $0xffff, v1  }
0x27f: {  	v1 =	vld @p1 [tilespmem:$0xC2D8];
	_ =	sdelay $0x4  }
0x280: {  	[tilespmem:s4+$0xC3C8] =	vst.add.f32.msk @p1 $0xffff, v1  }
0x281: {  	v1 =	vld @p1 [tilespmem:$0xC2E8];
	_ =	sdelay $0x4  }
0x282: {  	[tilespmem:s4+$0xC3D8] =	vst.add.f32.msk @p1 $0xffff, v1  }
0x283: {  	v1 =	vld @p1 [tilespmem:$0xC2F8];
	_ =	sdelay $0x2  }
0x284: {  	s5 =	smul.u32 @!p1 $0x300, s3;
	_ =	sdelay $0x1  }
0x285: {  	s5 =	smov.u32 @p1 s0;
	[tilespmem:s4+$0xC3E8] =	vst.add.f32.msk @p1 $0xffff, v1  }
0x286: {  	s0 =	sshra.s32 s5, $0x2;
	[tilespmem:s2+$0xC318] =	vst.msk $0x1, v0  }
0x287: {  	v0 =	vld [tilespmem:s0+$0xC338];
	_ =	sdelay $0x1  }
0x288: {  	s31 =	smul.u32 $0x300, s2;
	_ =	sdelay $0x1  }
0x289: {  	s4 =	sshra.s32 s31, $0x2  }
0x28a: {  	[tilespmem:s4+$0xC338] =	vst v0  }
0x28b: {  	v0 =	vld [tilespmem:s0+$0xC348];
	_ =	sdelay $0x4  }
0x28c: {  	[tilespmem:s4+$0xC348] =	vst v0  }
0x28d: {  	v0 =	vld [tilespmem:s0+$0xC358];
	_ =	sdelay $0x4  }
0x28e: {  	[tilespmem:s4+$0xC358] =	vst v0  }
0x28f: {  	v0 =	vld [tilespmem:s0+$0xC368];
	_ =	sdelay $0x4  }
0x290: {  	[tilespmem:s4+$0xC368] =	vst v0  }
0x291: {  	v0 =	vld [tilespmem:s0+$0xC378];
	_ =	sdelay $0x4  }
0x292: {  	[tilespmem:s4+$0xC378] =	vst v0  }
0x293: {  	v0 =	vld [tilespmem:s0+$0xC388];
	_ =	sdelay $0x4  }
0x294: {  	[tilespmem:s4+$0xC388] =	vst v0  }
0x295: {  	v0 =	vld [tilespmem:s0+$0xC398];
	_ =	sdelay $0x4  }
0x296: {  	[tilespmem:s4+$0xC398] =	vst v0  }
0x297: {  	v0 =	vld [tilespmem:s0+$0xC3A8];
	_ =	sdelay $0x4  }
0x298: {  	[tilespmem:s4+$0xC3A8] =	vst v0  }
0x299: {  	v0 =	vld [tilespmem:s0+$0xC3B8];
	_ =	sdelay $0x4  }
0x29a: {  	[tilespmem:s4+$0xC3B8] =	vst v0  }
0x29b: {  	v0 =	vld [tilespmem:s0+$0xC3C8];
	_ =	sdelay $0x4  }
0x29c: {  	[tilespmem:s4+$0xC3C8] =	vst v0  }
0x29d: {  	v0 =	vld [tilespmem:s0+$0xC3D8];
	_ =	sdelay $0x4  }
0x29e: {  	[tilespmem:s4+$0xC3D8] =	vst v0  }
0x29f: {  	v0 =	vld [tilespmem:s0+$0xC3E8];
	_ =	sdelay $0x4  }
0x2a0: {  	s2 =	sadd.s32 $0x1, s2;
	[tilespmem:s4+$0xC3E8] =	vst v0  }
.LBB2_54:
0x2a1: {  	s3 =	sadd.s32 $0x1, s3  }
0x2a2: {  	p1 =	sne.s32 s3, $0x20  }
.Ltmp35:
0x2a3: {  	_ = 	snop;
	(pc) =	sbr.rel @!p1 .LBB2_55-.Ltmp35, $1  }
0x2a4: {  	_ =	sdelay $0x3  }
.LBB2_47:
0x2a5: {  	v0 =	vld.msk [tilespmem:s3+$0xC318], $0x1;
	_ =	sdelay $0x4  }
0x2a6: {  	(v2sf) =	vpush v0, $0x0;
	_ =	sdelay $0xe  }
0x2a7: {  	s0 =	spop (v2sf)  }
0x2a8: {  	p1 =	seq.s32 s0, $0xFFFFFFFF  }
.Ltmp36:
0x2a9: {  	_ = 	snop;
	(pc) =	sbr.rel @p1 .LBB2_54-.Ltmp36, $1  }
0x2aa: {  	_ =	sdelay $0x3  }
0x2ab: {  	p1 =	slt.s32 s2, $0x1  }
.Ltmp37:
0x2ac: {  	_ = 	snop;
	(pc) =	sbr.rel @p1 .LBB2_53-.Ltmp37, $1  }
0x2ad: {  	_ =	sdelay $0x3  }
0x2ae: {  	s4 =	simm.s32 $0xC318;
	p1 =	por $0x0, $0x0  }
0x2af: {  	v1 =	vld.msk @!p1 [tilespmem:s4+$0x0], $0x1;
	_ =	sdelay $0x4  }
0x2b0: {  	(v2sf) =	vpush @!p1 v1, $0x0;
	_ =	sdelay $0xd  }
0x2b1: {  	p3 =	sne.s32 s2, $0x1  }
.Ltmp38:
0x2b2: {  	s5 =	spop @!p1 (v2sf);
	(pc) =	sbr.rel @!p3 .LBB2_51-.Ltmp38, $4  }
0x2b3: {  	p2 =	seq.s32 @!p1 s0, s5  }
0x2b4: {  	s5 =	simm.s32 $0x0;
	p2 =	por !p2, p1  }
0x2b5: {  	s7 =	simm.s32 $0xFFFFFFFF;
	s5 =	simm.s32 @p2 $0xFFFFFFFF  }
0x2b6: {  	s6 =	simm.s32 $0x1;
	s5 =	smov.u32 @p1 s7  }
.LBB2_50:
0x2b7: {  	s7 =	smov.u32 s5;
	p1 =	sne.s32 s5, $0xFFFFFFFF  }
0x2b8: {  	s4 =	sadd.s32 $0x1, s4;
	s5 =	smov.u32 s6;
	s6 =	sadd.s32 $0x1, s6  }
0x2b9: {  	p2 =	sne.s32 s2, s6;
	v1 =	vld.msk @!p1 [tilespmem:s4+$0x0], $0x1;
	_ =	sdelay $0x4  }
0x2ba: {  	(v2sf) =	vpush @!p1 v1, $0x0;
	_ =	sdelay $0xe  }
.Ltmp39:
0x2bb: {  	s8 =	spop @!p1 (v2sf);
	(pc) =	sbr.rel @p2 .LBB2_50-.Ltmp39, $4  }
0x2bc: {  	p3 =	seq.s32 @!p1 s0, s8  }
0x2bd: {  	p3 =	por !p3, p1  }
0x2be: {  	s5 =	simm.s32 @p3 $0xFFFFFFFF  }
0x2bf: {  	s5 =	smov.u32 @p1 s7  }
.LBB2_51:
0x2c0: {  	p1 =	seq.s32 s5, $0xFFFFFFFF  }
.Ltmp40:
0x2c1: {  	_ = 	snop;
	(pc) =	sbr.rel @p1 .LBB2_53-.Ltmp40, $1  }
0x2c2: {  	_ =	sdelay $0x3  }
0x2c3: {  	s0 =	smul.u32 $0x300, s3;
	_ =	sdelay $0x1  }
0x2c4: {  	s0 =	sshra.s32 s0, $0x2  }
0x2c5: {  	v0 =	vld [tilespmem:s0+$0xC338];
	_ =	sdelay $0x1  }
0x2c6: {  	s4 =	smul.u32 $0x300, s5;
	_ =	sdelay $0x1  }
0x2c7: {  	s4 =	sshra.s32 s4, $0x2  }
0x2c8: {  	[tilespmem:s4+$0xC338] =	vst.add.f32.msk $0xffff, v0  }
0x2c9: {  	v0 =	vld [tilespmem:s0+$0xC348];
	_ =	sdelay $0x4  }
0x2ca: {  	[tilespmem:s4+$0xC348] =	vst.add.f32.msk $0xffff, v0  }
0x2cb: {  	v0 =	vld [tilespmem:s0+$0xC358];
	_ =	sdelay $0x4  }
0x2cc: {  	[tilespmem:s4+$0xC358] =	vst.add.f32.msk $0xffff, v0  }
0x2cd: {  	v0 =	vld [tilespmem:s0+$0xC368];
	_ =	sdelay $0x4  }
0x2ce: {  	[tilespmem:s4+$0xC368] =	vst.add.f32.msk $0xffff, v0  }
0x2cf: {  	v0 =	vld [tilespmem:s0+$0xC378];
	_ =	sdelay $0x4  }
0x2d0: {  	[tilespmem:s4+$0xC378] =	vst.add.f32.msk $0xffff, v0  }
0x2d1: {  	v0 =	vld [tilespmem:s0+$0xC388];
	_ =	sdelay $0x4  }
0x2d2: {  	[tilespmem:s4+$0xC388] =	vst.add.f32.msk $0xffff, v0  }
0x2d3: {  	v0 =	vld [tilespmem:s0+$0xC398];
	_ =	sdelay $0x4  }
0x2d4: {  	[tilespmem:s4+$0xC398] =	vst.add.f32.msk $0xffff, v0  }
0x2d5: {  	v0 =	vld [tilespmem:s0+$0xC3A8];
	_ =	sdelay $0x4  }
0x2d6: {  	[tilespmem:s4+$0xC3A8] =	vst.add.f32.msk $0xffff, v0  }
0x2d7: {  	v0 =	vld [tilespmem:s0+$0xC3B8];
	_ =	sdelay $0x4  }
0x2d8: {  	[tilespmem:s4+$0xC3B8] =	vst.add.f32.msk $0xffff, v0  }
0x2d9: {  	v0 =	vld [tilespmem:s0+$0xC3C8];
	_ =	sdelay $0x4  }
0x2da: {  	[tilespmem:s4+$0xC3C8] =	vst.add.f32.msk $0xffff, v0  }
0x2db: {  	v0 =	vld [tilespmem:s0+$0xC3D8];
	_ =	sdelay $0x4  }
0x2dc: {  	[tilespmem:s4+$0xC3D8] =	vst.add.f32.msk $0xffff, v0  }
0x2dd: {  	v0 =	vld [tilespmem:s0+$0xC3E8]  }
.Ltmp41:
0x2de: {  	_ = 	snop;
	(pc) =	sbr.rel .LBB2_54-.Ltmp41, $2  }
0x2df: {  	_ =	sdelay $0x2  }
0x2e0: {  	[tilespmem:s4+$0xC3E8] =	vst.add.f32.msk $0xffff, v0  }
.LBB2_55:
0x2e1: {  	p1 =	slt.s32 s2, $0x1  }
.Ltmp42:
0x2e2: {  	_ = 	snop;
	(pc) =	sbr.rel @p1 .LBB2_59-.Ltmp42, $3  }
0x2e3: {  	_ =	sdelay $0x1  }
0x2e4: {  	s0 =	simm.s32 $0x8  }
0x2e5: {  	s4 =	simm.s32 $0x0;
	[sflag:s0] =	ssyncpa.u1 $0x1  }
0x2e6: {  	s0 =	simm.s32 $0xC318  }
0x2e7: {  	v0 =	vld.msk [tilespmem:s0+$0x0], $0x1;
	_ =	sdelay $0x4  }
0x2e8: {  	(v2sf) =	vpush v0, $0x0;
	_ =	sdelay $0xe  }
0x2e9: {  	s0 =	sadd.s32 $0xFFFFFFFF, s2;
	s3 =	spop (v2sf)  }
0x2ea: {  	s6 =	simm.s32 $0xC338;
	p1 =	sne.s32 s0, $0x0;
	p2 =	sgt.u32 s3, $0x186978  }
.Ltmp43:
0x2eb: {  	s2 =	simm.s32 $0xC3F8;
	s5 =	sand.u32 @!p2 $0x1FFFF8, s3;
	(pc) =	sbr.rel @!p1 .LBB2_58-.Ltmp43, $4  }
0x2ec: {  	s7 =	sadd.s32 @!p2 $0x80, s3;
	s4 =	simm.s32 @!p2 $0x300;
	s8 =	sadd.s32 @!p2 s1, s5  }
0x2ed: {  	s5 =	sand.u32 @!p2 $0x7, s3;
	s3 =	simm.s32 $0xC319;
	s7 =	sand.u32 @!p2 $0x3FFFF8, s7  }
0x2ee: {  	[hbm4b:s8+s5] =	stream.linear.scatter @!p2 [tilespmem:s6], [sflag:$0x7], $0x80, $0x38;
	[tilespmem:$0x1DDC8] =	vst v63  }
0x2ef: {  	s4 =	sadd.s32 $0x0, s4;
	s6 =	simm.s32 @!p2 $0xC3B8;
	s7 =	sadd.s32 @!p2 s1, s7  }
.LBB2_57:
0x2f0: {  	[hbm4b:s7+s5] =	stream.linear.scatter @!p2 [tilespmem:s6], [sflag:$0x7], $0x40, $0x38;
	[tilespmem:$0x1DDC8] =	vst v63  }
0x2f1: {  	s0 =	sadd.s32 $0xFFFFFFFF, s0;
	s6 =	smov.u32 s2;
	v0 =	vld.msk [tilespmem:s3+$0x0], $0x1  }
0x2f2: {  	p1 =	sne.s32 s0, $0x0;
	_ =	sdelay $0x3  }
0x2f3: {  	(v2sf) =	vpush v0, $0x0;
	_ =	sdelay $0xe  }
0x2f4: {  	s2 =	sadd.s32 $0xC0, s2;
	s8 =	simm.s32 $0x0;
	s5 =	spop (v2sf)  }
.Ltmp44:
0x2f5: {  	s3 =	sadd.s32 $0x1, s3;
	p2 =	sgt.u32 s5, $0x186978;
	(pc) =	sbr.rel @p1 .LBB2_57-.Ltmp44, $4  }
0x2f6: {  	s8 =	simm.s32 @!p2 $0x300;
	s7 =	sand.u32 @!p2 $0x1FFFF8, s5;
	s9 =	sadd.s32 @!p2 $0x80, s5  }
0x2f7: {  	s5 =	sand.u32 @!p2 $0x7, s5;
	s7 =	sadd.s32 @!p2 s1, s7;
	s9 =	sand.u32 @!p2 $0x3FFFF8, s9  }
0x2f8: {  	[hbm4b:s7+s5] =	stream.linear.scatter @!p2 [tilespmem:s6], [sflag:$0x7], $0x80, $0x38;
	[tilespmem:$0x1DDC8] =	vst v63  }
0x2f9: {  	s4 =	sadd.s32 s4, s8;
	s6 =	sadd.s32 @!p2 $0x80, s6;
	s7 =	sadd.s32 @!p2 s1, s9  }
.LBB2_58:
0x2fa: {  	[hbm4b:s7+s5] =	stream.linear.scatter @!p2 [tilespmem:s6], [sflag:$0x7], $0x40, $0x38;
	[tilespmem:$0x1DDC8] =	vst v63  }
0x2fb: {  	s4 =	sshrl.u32 s4, $0x2  }
.LBB2_59:
0x2fc: {  	s0 =	simm.s32 $0x7  }
0x2fd: {  	_ =	swait.ge [sflag:s0], s4  }
0x2fe: {  	s1 =	ssub.s32 $0x0, s4;
	[sflag:s0] =	ssyncset.done $0x0  }
0x2ff: {  	[sflag:s0] =	ssyncadd.s32 s1  }
0x300: {  	[sflag:s0] =	ssyncpa.u1 $0x1  }
.LBB2_60:
0x301: {  	_ =	sfence;
	s0 =	simm.s32 $0x1  }
0x302: {  	[sflag:s0] =	ssyncpa.u1 $0x1  }
0x303: {  	_ =	strace $0x9000004A  }
0x304: {  	[bflag:$0x2] =	sbarrier.arrive $0xFFFF  }
0x305: {  	s0 =	rddreg [dreg:$0x5]  }
0x306: {  	s0 =	sadd.s32 @!p0 $0x100000, s0  }
0x307: {  	[sflag:s0] =	ssyncadd.tile.s32 @!p0 $0x1;
	_ =	shalt  }
.Lfunc_end2:
_tile_overlayer_lowered:
.L_overlay_start_2:
0x308: {  	(tag) =	ssettag $0x2  }
0x309: {  	s0 =	rddreg [dreg:$0x0];
	s2 =	stileid.u32  }
0x30a: {  	s1 =	rddreg [dreg:$0x1];
	p0 =	sne.s32 s2, $0x0  }
0x30b: {  	s3 =	rddreg [dreg:$0x2];
	[bflag:$0x3] =	sbarrier.arrive $0xFFFF;
	s2 =	simm.s32 @!p0 $0x1C01  }
0x30c: {  	[timem:s3], [sflag:s2] =	dma.local @!p0 [hbm:s0], s1  }
0x30d: {  	s0 =	simm.s32 @!p0 $0x1  }
0x30e: {  	_ =	swait.ge @!p0 [sflag:s0], s1  }
0x30f: {  	s1 =	ssub.s32 @!p0 $0x0, s1;
	[sflag:s0] =	ssyncset.done @!p0 $0x0  }
0x310: {  	[sflag:s0] =	ssyncadd.s32 @!p0 s1  }
0x311: {  	[bflag:$0x3] =	sbarrier.arrive $0xFFFF  }
0x312: {  	_ =	shalt  }

</sc_bundles>
